<compile_context>
chip_gen: v7x
topology: tpu7x:2x2x1
jax: 0.10.2.dev20260603
libtpu: 0.0.44.dev20260713+nightly
codegen_flags: <defaults>
</compile_context>

<pallas_src>
import functools

import jax
import jax.numpy as jnp
from jax import lax
from jax.experimental import pallas as pl
from jax.experimental.pallas import tpu as pltpu
from jax.experimental.pallas import tpu_sc as plsc

NC = 2
NS = 16
NW = NC * NS

SPLIT = 2
NBUF = 10
GPRE = 6


def _make_gather(batch: int, seq: int, dim: int):
  assert batch % (NW * SPLIT) == 0
  bpw = batch // NW
  cs = bpw // SPLIT
  nchunk = seq * SPLIT
  assert cs <= 128
  assert nchunk % NBUF == 0

  mesh = plsc.VectorSubcoreMesh(core_axis_name="c", subcore_axis_name="s")

  @functools.partial(
      pl.kernel,
      out_type=jax.ShapeDtypeStruct((seq, batch, dim), jnp.float32),
      mesh=mesh,
      scratch_types=[
          pltpu.VMEM((seq, bpw), jnp.int32),
          [pltpu.VMEM((cs, dim), jnp.float32) for _ in range(NBUF)],
          [pltpu.SemaphoreType.DMA for _ in range(NBUF)],
          [pltpu.SemaphoreType.DMA for _ in range(NBUF)],
      ],
  )
  def gather_kernel(table_hbm, idx_hbm, out_hbm, idx_v, bufs, in_sems, out_sems):
    wid = lax.axis_index("s") * NC + lax.axis_index("c")
    batch_base = wid * bpw

    pltpu.sync_copy(idx_hbm.at[:, wid], idx_v)

    def start_gather(c, b):
      l, half = c // SPLIT, c % SPLIT
      pltpu.async_copy(table_hbm.at[idx_v.at[l, pl.ds(half * cs, cs)]],
                       bufs[b], in_sems[b])

    def wait_sem(sems, b):
      pltpu.make_async_copy(table_hbm.at[pl.ds(0, cs)], bufs[b], sems[b]).wait()

    def start_out(c, b):
      l, half = c // SPLIT, c % SPLIT
      pltpu.async_copy(bufs[b],
                       out_hbm.at[l, pl.ds(batch_base + half * cs, cs)],
                       out_sems[b])

    for c in range(GPRE):
      start_gather(c, c % NBUF)

    @pl.loop(0, nchunk, step=NBUF)
    def _(g):
      for b in range(NBUF):
        c = g + b
        bn = (b + GPRE) % NBUF

        @pl.when(c + GPRE < nchunk)
        def _():
          @pl.when(c + GPRE >= NBUF)
          def _():
            wait_sem(out_sems, bn)

          start_gather(c + GPRE, bn)

        wait_sem(in_sems, b)
        start_out(c, b)

    for b in range(NBUF):
      wait_sem(out_sems, b)

  return gather_kernel


@jax.jit
def kernel(x, table):
  batch, seq = x.shape
  dim = table.shape[1]
  xt = x.astype(jnp.int32).T.reshape(seq, NW, batch // NW)
  out = _make_gather(batch, seq, dim)(table, xt)
  return out.transpose(1, 0, 2)

# --- scband reference (transcript-rebuilt; emitter-appended) ---
"""Pipeline reference for scband-elmo-embedding-layer-74955769249987 (READ-ONLY COPY).

The authoritative reference and input builder live on the scoring server;
editing this copy changes nothing except your own understanding.
"""

import jax, jax.numpy as jnp
import numpy as np

VOCAB = 100000
EMBED_DIM = 128
BATCH = 4096
SEQ_LEN = 50


def setup_inputs(seed: int = 0) -> dict:
    key = jax.random.key(seed)
    k_idx, k_tab = jax.random.split(key)
    x = jax.random.randint(k_idx, (BATCH, SEQ_LEN), 0, VOCAB, dtype=jnp.int64 if jax.config.jax_enable_x64 else jnp.int32)
    table = jax.random.normal(k_tab, (VOCAB, EMBED_DIM), dtype=jnp.float32) * 0.02
    return {"x": x, "table": table}


def reference(x, table):
    # Original module: maps token ids -> strings via vocab -> ELMo embeddings.
    # Faithful tensor-level semantics: per-token embedding lookup producing
    # [batch_sz, seq_len, dim]. Implemented as a gather from the embedding table.
    out = jnp.take(table, x, axis=0)  # [B, L, D]
    return out

if __name__ == "__main__":
    import jax
    _d = setup_inputs()
    print(jax.jit(kernel)(*tuple(_d.values())))

</pallas_src>

<mosaic_0001>
#map = affine_map<(d0, d1) -> (0, 0)>
#map1 = affine_map<(d0, d1) -> (0, 0, 0)>
module attributes {stable_mosaic.version = 14 : i64} {
  func.func @gather_kernel(%arg0: i32, %arg1: i32, %arg2: memref<100000x128xf32, #tpu.memory_space<hbm>>, %arg3: memref<50x32x128xi32, #tpu.memory_space<hbm>>, %arg4: memref<50x4096x128xf32, #tpu.memory_space<hbm>>, %arg5: memref<50x128xi32, #tpu.memory_space<vmem>>, %arg6: memref<64x128xf32, #tpu.memory_space<vmem>>, %arg7: memref<64x128xf32, #tpu.memory_space<vmem>>, %arg8: memref<64x128xf32, #tpu.memory_space<vmem>>, %arg9: memref<64x128xf32, #tpu.memory_space<vmem>>, %arg10: memref<64x128xf32, #tpu.memory_space<vmem>>, %arg11: memref<64x128xf32, #tpu.memory_space<vmem>>, %arg12: memref<64x128xf32, #tpu.memory_space<vmem>>, %arg13: memref<64x128xf32, #tpu.memory_space<vmem>>, %arg14: memref<64x128xf32, #tpu.memory_space<vmem>>, %arg15: memref<64x128xf32, #tpu.memory_space<vmem>>, %arg16: memref<!tpu.dma_semaphore, #tpu.memory_space<semaphore_mem>>, %arg17: memref<!tpu.dma_semaphore, #tpu.memory_space<semaphore_mem>>, %arg18: memref<!tpu.dma_semaphore, #tpu.memory_space<semaphore_mem>>, %arg19: memref<!tpu.dma_semaphore, #tpu.memory_space<semaphore_mem>>, %arg20: memref<!tpu.dma_semaphore, #tpu.memory_space<semaphore_mem>>, %arg21: memref<!tpu.dma_semaphore, #tpu.memory_space<semaphore_mem>>, %arg22: memref<!tpu.dma_semaphore, #tpu.memory_space<semaphore_mem>>, %arg23: memref<!tpu.dma_semaphore, #tpu.memory_space<semaphore_mem>>, %arg24: memref<!tpu.dma_semaphore, #tpu.memory_space<semaphore_mem>>, %arg25: memref<!tpu.dma_semaphore, #tpu.memory_space<semaphore_mem>>, %arg26: memref<!tpu.dma_semaphore, #tpu.memory_space<semaphore_mem>>, %arg27: memref<!tpu.dma_semaphore, #tpu.memory_space<semaphore_mem>>, %arg28: memref<!tpu.dma_semaphore, #tpu.memory_space<semaphore_mem>>, %arg29: memref<!tpu.dma_semaphore, #tpu.memory_space<semaphore_mem>>, %arg30: memref<!tpu.dma_semaphore, #tpu.memory_space<semaphore_mem>>, %arg31: memref<!tpu.dma_semaphore, #tpu.memory_space<semaphore_mem>>, %arg32: memref<!tpu.dma_semaphore, #tpu.memory_space<semaphore_mem>>, %arg33: memref<!tpu.dma_semaphore, #tpu.memory_space<semaphore_mem>>, %arg34: memref<!tpu.dma_semaphore, #tpu.memory_space<semaphore_mem>>, %arg35: memref<!tpu.dma_semaphore, #tpu.memory_space<semaphore_mem>>) attributes {dimension_semantics = [#tpu.dimension_semantics<core_parallel>, #tpu.dimension_semantics<subcore_parallel>], iteration_bounds = array<i64: 2, 16>, scalar_prefetch = 0 : i64, scratch_operands = 31 : i64, tpu.core_type = #tpu.core_type<sc_vector_subcore>, window_params = [{transform_indices = #map}, {transform_indices = #map1}, {transform_indices = #map1}]} {
    %mul3A = arith.constant 2 : i32
    %mul3A_0 = arith.muli %arg1, %mul3A : i32
    %add3A = arith.addi %mul3A_0, %arg0 : i32
    %mul3A_1 = arith.constant 128 : i32
    %mul3A_2 = arith.muli %add3A, %mul3A_1 : i32
    "tpu.region"() ({
      %run_scoped3A = tpu.sem_alloc : memref<!tpu.dma_semaphore, #tpu.memory_space<semaphore_mem>>
      %dma_start3A_107 = arith.constant 0 : i32
      %dma_start3A_108 = arith.constant 0 : i32
      %dma_start3A_109 = tpu.memref_slice %arg3[%dma_start3A_107, %add3A, %dma_start3A_108] : memref<50x32x128xi32, #tpu.memory_space<hbm>> -> memref<50x1x128xi32, #tpu.memory_space<hbm>>
      %dma_start3A_110 = tpu.memref_squeeze %dma_start3A_109 : memref<50x1x128xi32, #tpu.memory_space<hbm>> -> memref<50x128xi32, #tpu.memory_space<hbm>>
      %dma_start3A_111 = arith.constant 0 : i32
      %dma_start3A_112 = arith.constant 0 : i32
      %dma_start3A_113 = tpu.memref_slice %arg3[%dma_start3A_111, %add3A, %dma_start3A_112] : memref<50x32x128xi32, #tpu.memory_space<hbm>> -> memref<50x1x128xi32, #tpu.memory_space<hbm>>
      %dma_start3A_114 = tpu.memref_squeeze %dma_start3A_113 : memref<50x1x128xi32, #tpu.memory_space<hbm>> -> memref<50x128xi32, #tpu.memory_space<hbm>>
      tpu.enqueue_dma source(%dma_start3A_114 : memref<50x128xi32, #tpu.memory_space<hbm>>) target(%arg5 : memref<50x128xi32, #tpu.memory_space<vmem>>) target_semaphore(%run_scoped3A : memref<!tpu.dma_semaphore, #tpu.memory_space<semaphore_mem>>)
      %dma_wait3A_115 = arith.constant 0 : i32
      %dma_wait3A_116 = arith.constant 0 : i32
      %dma_wait3A_117 = tpu.memref_slice %arg3[%dma_wait3A_115, %add3A, %dma_wait3A_116] : memref<50x32x128xi32, #tpu.memory_space<hbm>> -> memref<50x1x128xi32, #tpu.memory_space<hbm>>
      %dma_wait3A_118 = tpu.memref_squeeze %dma_wait3A_117 : memref<50x1x128xi32, #tpu.memory_space<hbm>> -> memref<50x128xi32, #tpu.memory_space<hbm>>
      %dma_wait3A_119 = arith.constant 0 : i32
      %dma_wait3A_120 = arith.constant 0 : i32
      %dma_wait3A_121 = tpu.memref_slice %arg3[%dma_wait3A_119, %add3A, %dma_wait3A_120] : memref<50x32x128xi32, #tpu.memory_space<hbm>> -> memref<50x1x128xi32, #tpu.memory_space<hbm>>
      %dma_wait3A_122 = tpu.memref_squeeze %dma_wait3A_121 : memref<50x1x128xi32, #tpu.memory_space<hbm>> -> memref<50x128xi32, #tpu.memory_space<hbm>>
      tpu.wait_dma2 semaphore(%run_scoped3A : memref<!tpu.dma_semaphore, #tpu.memory_space<semaphore_mem>>) src(%dma_wait3A_122 : memref<50x128xi32, #tpu.memory_space<hbm>>) dst(%arg5 : memref<50x128xi32, #tpu.memory_space<vmem>>)
      tpu.yield
    }) : () -> ()
    %dma_start3A = arith.constant 0 : i32
    %dma_start3A_3 = arith.constant 0 : i32
    %dma_start3A_4 = tpu.memref_slice %arg5[%dma_start3A, %dma_start3A_3] : memref<50x128xi32, #tpu.memory_space<vmem>> -> memref<1x64xi32, #tpu.memory_space<vmem>>
    %dma_start3A_5 = tpu.memref_squeeze %dma_start3A_4 : memref<1x64xi32, #tpu.memory_space<vmem>> -> memref<64xi32, #tpu.memory_space<vmem>>
    %dma_start3A_6 = arith.constant 0 : i32
    %dma_start3A_7 = arith.constant 0 : i32
    %dma_start3A_8 = tpu.memref_slice %arg2[%dma_start3A_6, %dma_start3A_7] : memref<100000x128xf32, #tpu.memory_space<hbm>> -> memref<100000x128xf32, #tpu.memory_space<hbm>>
    tpu.enqueue_indirect_dma source(%dma_start3A_8 : memref<100000x128xf32, #tpu.memory_space<hbm>>) target(%arg6 : memref<64x128xf32, #tpu.memory_space<vmem>>) offsets(%dma_start3A_5 : memref<64xi32, #tpu.memory_space<vmem>>) semaphore(%arg16 : memref<!tpu.dma_semaphore, #tpu.memory_space<semaphore_mem>>)
    %dma_start3A_9 = arith.constant 0 : i32
    %dma_start3A_10 = arith.constant 64 : i32
    %dma_start3A_11 = tpu.memref_slice %arg5[%dma_start3A_9, %dma_start3A_10] : memref<50x128xi32, #tpu.memory_space<vmem>> -> memref<1x64xi32, #tpu.memory_space<vmem>>
    %dma_start3A_12 = tpu.memref_squeeze %dma_start3A_11 : memref<1x64xi32, #tpu.memory_space<vmem>> -> memref<64xi32, #tpu.memory_space<vmem>>
    %dma_start3A_13 = arith.constant 0 : i32
    %dma_start3A_14 = arith.constant 0 : i32
    %dma_start3A_15 = tpu.memref_slice %arg2[%dma_start3A_13, %dma_start3A_14] : memref<100000x128xf32, #tpu.memory_space<hbm>> -> memref<100000x128xf32, #tpu.memory_space<hbm>>
    tpu.enqueue_indirect_dma source(%dma_start3A_15 : memref<100000x128xf32, #tpu.memory_space<hbm>>) target(%arg7 : memref<64x128xf32, #tpu.memory_space<vmem>>) offsets(%dma_start3A_12 : memref<64xi32, #tpu.memory_space<vmem>>) semaphore(%arg17 : memref<!tpu.dma_semaphore, #tpu.memory_space<semaphore_mem>>)
    %dma_start3A_16 = arith.constant 1 : i32
    %dma_start3A_17 = arith.constant 0 : i32
    %dma_start3A_18 = tpu.memref_slice %arg5[%dma_start3A_16, %dma_start3A_17] : memref<50x128xi32, #tpu.memory_space<vmem>> -> memref<1x64xi32, #tpu.memory_space<vmem>>
    %dma_start3A_19 = tpu.memref_squeeze %dma_start3A_18 : memref<1x64xi32, #tpu.memory_space<vmem>> -> memref<64xi32, #tpu.memory_space<vmem>>
    %dma_start3A_20 = arith.constant 0 : i32
    %dma_start3A_21 = arith.constant 0 : i32
    %dma_start3A_22 = tpu.memref_slice %arg2[%dma_start3A_20, %dma_start3A_21] : memref<100000x128xf32, #tpu.memory_space<hbm>> -> memref<100000x128xf32, #tpu.memory_space<hbm>>
    tpu.enqueue_indirect_dma source(%dma_start3A_22 : memref<100000x128xf32, #tpu.memory_space<hbm>>) target(%arg8 : memref<64x128xf32, #tpu.memory_space<vmem>>) offsets(%dma_start3A_19 : memref<64xi32, #tpu.memory_space<vmem>>) semaphore(%arg18 : memref<!tpu.dma_semaphore, #tpu.memory_space<semaphore_mem>>)
    %dma_start3A_23 = arith.constant 1 : i32
    %dma_start3A_24 = arith.constant 64 : i32
    %dma_start3A_25 = tpu.memref_slice %arg5[%dma_start3A_23, %dma_start3A_24] : memref<50x128xi32, #tpu.memory_space<vmem>> -> memref<1x64xi32, #tpu.memory_space<vmem>>
    %dma_start3A_26 = tpu.memref_squeeze %dma_start3A_25 : memref<1x64xi32, #tpu.memory_space<vmem>> -> memref<64xi32, #tpu.memory_space<vmem>>
    %dma_start3A_27 = arith.constant 0 : i32
    %dma_start3A_28 = arith.constant 0 : i32
    %dma_start3A_29 = tpu.memref_slice %arg2[%dma_start3A_27, %dma_start3A_28] : memref<100000x128xf32, #tpu.memory_space<hbm>> -> memref<100000x128xf32, #tpu.memory_space<hbm>>
    tpu.enqueue_indirect_dma source(%dma_start3A_29 : memref<100000x128xf32, #tpu.memory_space<hbm>>) target(%arg9 : memref<64x128xf32, #tpu.memory_space<vmem>>) offsets(%dma_start3A_26 : memref<64xi32, #tpu.memory_space<vmem>>) semaphore(%arg19 : memref<!tpu.dma_semaphore, #tpu.memory_space<semaphore_mem>>)
    %dma_start3A_30 = arith.constant 2 : i32
    %dma_start3A_31 = arith.constant 0 : i32
    %dma_start3A_32 = tpu.memref_slice %arg5[%dma_start3A_30, %dma_start3A_31] : memref<50x128xi32, #tpu.memory_space<vmem>> -> memref<1x64xi32, #tpu.memory_space<vmem>>
    %dma_start3A_33 = tpu.memref_squeeze %dma_start3A_32 : memref<1x64xi32, #tpu.memory_space<vmem>> -> memref<64xi32, #tpu.memory_space<vmem>>
    %dma_start3A_34 = arith.constant 0 : i32
    %dma_start3A_35 = arith.constant 0 : i32
    %dma_start3A_36 = tpu.memref_slice %arg2[%dma_start3A_34, %dma_start3A_35] : memref<100000x128xf32, #tpu.memory_space<hbm>> -> memref<100000x128xf32, #tpu.memory_space<hbm>>
    tpu.enqueue_indirect_dma source(%dma_start3A_36 : memref<100000x128xf32, #tpu.memory_space<hbm>>) target(%arg10 : memref<64x128xf32, #tpu.memory_space<vmem>>) offsets(%dma_start3A_33 : memref<64xi32, #tpu.memory_space<vmem>>) semaphore(%arg20 : memref<!tpu.dma_semaphore, #tpu.memory_space<semaphore_mem>>)
    %dma_start3A_37 = arith.constant 2 : i32
    %dma_start3A_38 = arith.constant 64 : i32
    %dma_start3A_39 = tpu.memref_slice %arg5[%dma_start3A_37, %dma_start3A_38] : memref<50x128xi32, #tpu.memory_space<vmem>> -> memref<1x64xi32, #tpu.memory_space<vmem>>
    %dma_start3A_40 = tpu.memref_squeeze %dma_start3A_39 : memref<1x64xi32, #tpu.memory_space<vmem>> -> memref<64xi32, #tpu.memory_space<vmem>>
    %dma_start3A_41 = arith.constant 0 : i32
    %dma_start3A_42 = arith.constant 0 : i32
    %dma_start3A_43 = tpu.memref_slice %arg2[%dma_start3A_41, %dma_start3A_42] : memref<100000x128xf32, #tpu.memory_space<hbm>> -> memref<100000x128xf32, #tpu.memory_space<hbm>>
    tpu.enqueue_indirect_dma source(%dma_start3A_43 : memref<100000x128xf32, #tpu.memory_space<hbm>>) target(%arg11 : memref<64x128xf32, #tpu.memory_space<vmem>>) offsets(%dma_start3A_40 : memref<64xi32, #tpu.memory_space<vmem>>) semaphore(%arg21 : memref<!tpu.dma_semaphore, #tpu.memory_space<semaphore_mem>>)
    %scan3A = arith.constant 0 : i32
    %scan3A_44 = arith.constant 10 : i32
    %scan3A_45 = arith.addi %scan3A, %scan3A_44 : i32
    %scan3A_46 = arith.constant 1 : i32
    scf.for %scan3A_107 = %scan3A to %scan3A_45 step %scan3A_46  : i32 {
      %mul3A_108 = arith.constant 10 : i32
      %mul3A_109 = arith.muli %scan3A_107, %mul3A_108 : i32
      %add3A_110 = arith.constant 0 : i32
      %add3A_111 = arith.addi %add3A_110, %mul3A_109 : i32
      %add3A_112 = arith.constant 0 : i32
      %add3A_113 = arith.addi %add3A_111, %add3A_112 : i32
      %add3A_114 = arith.constant 6 : i32
      %add3A_115 = arith.addi %add3A_113, %add3A_114 : i32
      %lt3A = arith.constant 100 : i32
      %lt3A_116 = arith.cmpi slt, %add3A_115, %lt3A : i32
      %convert_element_type3A = arith.extui %lt3A_116 : i1 to i32
      %cond3A = arith.constant 0 : i32
      %cond3A_117 = arith.cmpi ne, %convert_element_type3A, %cond3A : i32
      scf.if %cond3A_117 {
        %add3A_740 = arith.constant 6 : i32
        %add3A_741 = arith.addi %add3A_113, %add3A_740 : i32
        %ge3A = arith.constant 10 : i32
        %ge3A_742 = arith.cmpi sge, %add3A_741, %ge3A : i32
        %convert_element_type3A_743 = arith.extui %ge3A_742 : i1 to i32
        %cond3A_744 = arith.constant 0 : i32
        %cond3A_745 = arith.cmpi ne, %convert_element_type3A_743, %cond3A_744 : i32
        scf.if %cond3A_745 {
          %dma_wait3A_795 = arith.constant 0 : i32
          %dma_wait3A_796 = arith.constant 0 : i32
          %dma_wait3A_797 = tpu.memref_slice %arg2[%dma_wait3A_795, %dma_wait3A_796] : memref<100000x128xf32, #tpu.memory_space<hbm>> -> memref<64x128xf32, #tpu.memory_space<hbm>>
          %dma_wait3A_798 = arith.constant 0 : i32
          %dma_wait3A_799 = arith.constant 0 : i32
          %dma_wait3A_800 = tpu.memref_slice %arg2[%dma_wait3A_798, %dma_wait3A_799] : memref<100000x128xf32, #tpu.memory_space<hbm>> -> memref<64x128xf32, #tpu.memory_space<hbm>>
          tpu.wait_dma2 semaphore(%arg32 : memref<!tpu.dma_semaphore, #tpu.memory_space<semaphore_mem>>) src(%dma_wait3A_800 : memref<64x128xf32, #tpu.memory_space<hbm>>) dst(%arg12 : memref<64x128xf32, #tpu.memory_space<vmem>>)
        } else {
        }
        %add3A_746 = arith.constant 6 : i32
        %add3A_747 = arith.addi %add3A_113, %add3A_746 : i32
        %jit3A_748 = arith.constant 2 : i32
        %div3A_749 = arith.divsi %add3A_747, %jit3A_748 : i32
        %sign3A_750 = arith.constant 0 : i32
        %sign3A_751 = arith.cmpi sgt, %add3A_747, %sign3A_750 : i32
        %sign3A_752 = arith.extui %sign3A_751 : i1 to i32
        %sign3A_753 = arith.constant 0 : i32
        %sign3A_754 = arith.cmpi slt, %add3A_747, %sign3A_753 : i32
        %sign3A_755 = arith.extui %sign3A_754 : i1 to i32
        %sign3A_756 = arith.subi %sign3A_752, %sign3A_755 : i32
        %sign3A_757 = arith.constant 0 : i32
        %sign3A_758 = arith.cmpi sgt, %jit3A_748, %sign3A_757 : i32
        %sign3A_759 = arith.extui %sign3A_758 : i1 to i32
        %sign3A_760 = arith.constant 0 : i32
        %sign3A_761 = arith.cmpi slt, %jit3A_748, %sign3A_760 : i32
        %sign3A_762 = arith.extui %sign3A_761 : i1 to i32
        %sign3A_763 = arith.subi %sign3A_759, %sign3A_762 : i32
        %ne3A_764 = arith.cmpi ne, %sign3A_756, %sign3A_763 : i32
        %rem3A_765 = arith.remsi %add3A_747, %jit3A_748 : i32
        %ne3A_766 = arith.constant 0 : i32
        %ne3A_767 = arith.cmpi ne, %rem3A_765, %ne3A_766 : i32
        %and3A_768 = arith.andi %ne3A_764, %ne3A_767 : i1
        %sub3A_769 = arith.constant 1 : i32
        %sub3A_770 = arith.subi %div3A_749, %sub3A_769 : i32
        %select_n3A_771 = arith.select %and3A_768, %sub3A_770, %div3A_749 : i32
        %jit3A_772 = arith.constant 2 : i32
        %eq3A_773 = arith.constant 0 : i32
        %eq3A_774 = arith.cmpi eq, %jit3A_772, %eq3A_773 : i32
        %jit3A_775 = arith.constant 1 : i32
        %select_n3A_776 = arith.select %eq3A_774, %jit3A_775, %jit3A_772 : i32
        %rem3A_777 = arith.remsi %add3A_747, %select_n3A_776 : i32
        %ne3A_778 = arith.constant 0 : i32
        %ne3A_779 = arith.cmpi ne, %rem3A_777, %ne3A_778 : i32
        %lt3A_780 = arith.constant 0 : i32
        %lt3A_781 = arith.cmpi slt, %rem3A_777, %lt3A_780 : i32
        %lt3A_782 = arith.constant 0 : i32
        %lt3A_783 = arith.cmpi slt, %select_n3A_776, %lt3A_782 : i32
        %ne3A_784 = arith.xori %lt3A_781, %lt3A_783 : i1
        %and3A_785 = arith.andi %ne3A_784, %ne3A_779 : i1
        %add3A_786 = arith.addi %rem3A_777, %select_n3A_776 : i32
        %select_n3A_787 = arith.select %and3A_785, %add3A_786, %rem3A_777 : i32
        %mul3A_788 = arith.constant 64 : i32
        %mul3A_789 = arith.muli %select_n3A_787, %mul3A_788 : i32
        %dma_start3A_790 = tpu.memref_slice %arg5[%select_n3A_771, %mul3A_789] : memref<50x128xi32, #tpu.memory_space<vmem>> -> memref<1x64xi32, #tpu.memory_space<vmem>>
        %dma_start3A_791 = tpu.memref_squeeze %dma_start3A_790 : memref<1x64xi32, #tpu.memory_space<vmem>> -> memref<64xi32, #tpu.memory_space<vmem>>
        %dma_start3A_792 = arith.constant 0 : i32
        %dma_start3A_793 = arith.constant 0 : i32
        %dma_start3A_794 = tpu.memref_slice %arg2[%dma_start3A_792, %dma_start3A_793] : memref<100000x128xf32, #tpu.memory_space<hbm>> -> memref<100000x128xf32, #tpu.memory_space<hbm>>
        tpu.enqueue_indirect_dma source(%dma_start3A_794 : memref<100000x128xf32, #tpu.memory_space<hbm>>) target(%arg12 : memref<64x128xf32, #tpu.memory_space<vmem>>) offsets(%dma_start3A_791 : memref<64xi32, #tpu.memory_space<vmem>>) semaphore(%arg22 : memref<!tpu.dma_semaphore, #tpu.memory_space<semaphore_mem>>)
      } else {
      }
      %dma_wait3A_118 = arith.constant 0 : i32
      %dma_wait3A_119 = arith.constant 0 : i32
      %dma_wait3A_120 = tpu.memref_slice %arg2[%dma_wait3A_118, %dma_wait3A_119] : memref<100000x128xf32, #tpu.memory_space<hbm>> -> memref<64x128xf32, #tpu.memory_space<hbm>>
      %dma_wait3A_121 = arith.constant 0 : i32
      %dma_wait3A_122 = arith.constant 0 : i32
      %dma_wait3A_123 = tpu.memref_slice %arg2[%dma_wait3A_121, %dma_wait3A_122] : memref<100000x128xf32, #tpu.memory_space<hbm>> -> memref<64x128xf32, #tpu.memory_space<hbm>>
      tpu.wait_dma2 semaphore(%arg16 : memref<!tpu.dma_semaphore, #tpu.memory_space<semaphore_mem>>) src(%dma_wait3A_123 : memref<64x128xf32, #tpu.memory_space<hbm>>) dst(%arg6 : memref<64x128xf32, #tpu.memory_space<vmem>>)
      %jit3A = arith.constant 2 : i32
      %div3A = arith.divsi %add3A_113, %jit3A : i32
      %sign3A = arith.constant 0 : i32
      %sign3A_124 = arith.cmpi sgt, %add3A_113, %sign3A : i32
      %sign3A_125 = arith.extui %sign3A_124 : i1 to i32
      %sign3A_126 = arith.constant 0 : i32
      %sign3A_127 = arith.cmpi slt, %add3A_113, %sign3A_126 : i32
      %sign3A_128 = arith.extui %sign3A_127 : i1 to i32
      %sign3A_129 = arith.subi %sign3A_125, %sign3A_128 : i32
      %sign3A_130 = arith.constant 0 : i32
      %sign3A_131 = arith.cmpi sgt, %jit3A, %sign3A_130 : i32
      %sign3A_132 = arith.extui %sign3A_131 : i1 to i32
      %sign3A_133 = arith.constant 0 : i32
      %sign3A_134 = arith.cmpi slt, %jit3A, %sign3A_133 : i32
      %sign3A_135 = arith.extui %sign3A_134 : i1 to i32
      %sign3A_136 = arith.subi %sign3A_132, %sign3A_135 : i32
      %ne3A = arith.cmpi ne, %sign3A_129, %sign3A_136 : i32
      %rem3A = arith.remsi %add3A_113, %jit3A : i32
      %ne3A_137 = arith.constant 0 : i32
      %ne3A_138 = arith.cmpi ne, %rem3A, %ne3A_137 : i32
      %and3A = arith.andi %ne3A, %ne3A_138 : i1
      %sub3A = arith.constant 1 : i32
      %sub3A_139 = arith.subi %div3A, %sub3A : i32
      %select_n3A = arith.select %and3A, %sub3A_139, %div3A : i32
      %jit3A_140 = arith.constant 2 : i32
      %eq3A = arith.constant 0 : i32
      %eq3A_141 = arith.cmpi eq, %jit3A_140, %eq3A : i32
      %jit3A_142 = arith.constant 1 : i32
      %select_n3A_143 = arith.select %eq3A_141, %jit3A_142, %jit3A_140 : i32
      %rem3A_144 = arith.remsi %add3A_113, %select_n3A_143 : i32
      %ne3A_145 = arith.constant 0 : i32
      %ne3A_146 = arith.cmpi ne, %rem3A_144, %ne3A_145 : i32
      %lt3A_147 = arith.constant 0 : i32
      %lt3A_148 = arith.cmpi slt, %rem3A_144, %lt3A_147 : i32
      %lt3A_149 = arith.constant 0 : i32
      %lt3A_150 = arith.cmpi slt, %select_n3A_143, %lt3A_149 : i32
      %ne3A_151 = arith.xori %lt3A_148, %lt3A_150 : i1
      %and3A_152 = arith.andi %ne3A_151, %ne3A_146 : i1
      %add3A_153 = arith.addi %rem3A_144, %select_n3A_143 : i32
      %select_n3A_154 = arith.select %and3A_152, %add3A_153, %rem3A_144 : i32
      %mul3A_155 = arith.constant 64 : i32
      %mul3A_156 = arith.muli %select_n3A_154, %mul3A_155 : i32
      %add3A_157 = arith.addi %mul3A_2, %mul3A_156 : i32
      %dma_start3A_158 = arith.constant 0 : i32
      %dma_start3A_159 = tpu.memref_slice %arg4[%select_n3A, %add3A_157, %dma_start3A_158] : memref<50x4096x128xf32, #tpu.memory_space<hbm>> -> memref<1x64x128xf32, #tpu.memory_space<hbm>>
      %dma_start3A_160 = tpu.memref_squeeze %dma_start3A_159 : memref<1x64x128xf32, #tpu.memory_space<hbm>> -> memref<64x128xf32, #tpu.memory_space<hbm>>
      %dma_start3A_161 = arith.constant 0 : i32
      %dma_start3A_162 = tpu.memref_slice %arg4[%select_n3A, %add3A_157, %dma_start3A_161] : memref<50x4096x128xf32, #tpu.memory_space<hbm>> -> memref<1x64x128xf32, #tpu.memory_space<hbm>>
      %dma_start3A_163 = tpu.memref_squeeze %dma_start3A_162 : memref<1x64x128xf32, #tpu.memory_space<hbm>> -> memref<64x128xf32, #tpu.memory_space<hbm>>
      tpu.enqueue_dma source(%arg6 : memref<64x128xf32, #tpu.memory_space<vmem>>) target(%dma_start3A_163 : memref<64x128xf32, #tpu.memory_space<hbm>>) target_semaphore(%arg26 : memref<!tpu.dma_semaphore, #tpu.memory_space<semaphore_mem>>)
      %add3A_164 = arith.constant 1 : i32
      %add3A_165 = arith.addi %add3A_111, %add3A_164 : i32
      %add3A_166 = arith.constant 6 : i32
      %add3A_167 = arith.addi %add3A_165, %add3A_166 : i32
      %lt3A_168 = arith.constant 100 : i32
      %lt3A_169 = arith.cmpi slt, %add3A_167, %lt3A_168 : i32
      %convert_element_type3A_170 = arith.extui %lt3A_169 : i1 to i32
      %cond3A_171 = arith.constant 0 : i32
      %cond3A_172 = arith.cmpi ne, %convert_element_type3A_170, %cond3A_171 : i32
      scf.if %cond3A_172 {
        %add3A_740 = arith.constant 6 : i32
        %add3A_741 = arith.addi %add3A_165, %add3A_740 : i32
        %ge3A = arith.constant 10 : i32
        %ge3A_742 = arith.cmpi sge, %add3A_741, %ge3A : i32
        %convert_element_type3A_743 = arith.extui %ge3A_742 : i1 to i32
        %cond3A_744 = arith.constant 0 : i32
        %cond3A_745 = arith.cmpi ne, %convert_element_type3A_743, %cond3A_744 : i32
        scf.if %cond3A_745 {
          %dma_wait3A_795 = arith.constant 0 : i32
          %dma_wait3A_796 = arith.constant 0 : i32
          %dma_wait3A_797 = tpu.memref_slice %arg2[%dma_wait3A_795, %dma_wait3A_796] : memref<100000x128xf32, #tpu.memory_space<hbm>> -> memref<64x128xf32, #tpu.memory_space<hbm>>
          %dma_wait3A_798 = arith.constant 0 : i32
          %dma_wait3A_799 = arith.constant 0 : i32
          %dma_wait3A_800 = tpu.memref_slice %arg2[%dma_wait3A_798, %dma_wait3A_799] : memref<100000x128xf32, #tpu.memory_space<hbm>> -> memref<64x128xf32, #tpu.memory_space<hbm>>
          tpu.wait_dma2 semaphore(%arg33 : memref<!tpu.dma_semaphore, #tpu.memory_space<semaphore_mem>>) src(%dma_wait3A_800 : memref<64x128xf32, #tpu.memory_space<hbm>>) dst(%arg13 : memref<64x128xf32, #tpu.memory_space<vmem>>)
        } else {
        }
        %add3A_746 = arith.constant 6 : i32
        %add3A_747 = arith.addi %add3A_165, %add3A_746 : i32
        %jit3A_748 = arith.constant 2 : i32
        %div3A_749 = arith.divsi %add3A_747, %jit3A_748 : i32
        %sign3A_750 = arith.constant 0 : i32
        %sign3A_751 = arith.cmpi sgt, %add3A_747, %sign3A_750 : i32
        %sign3A_752 = arith.extui %sign3A_751 : i1 to i32
        %sign3A_753 = arith.constant 0 : i32
        %sign3A_754 = arith.cmpi slt, %add3A_747, %sign3A_753 : i32
        %sign3A_755 = arith.extui %sign3A_754 : i1 to i32
        %sign3A_756 = arith.subi %sign3A_752, %sign3A_755 : i32
        %sign3A_757 = arith.constant 0 : i32
        %sign3A_758 = arith.cmpi sgt, %jit3A_748, %sign3A_757 : i32
        %sign3A_759 = arith.extui %sign3A_758 : i1 to i32
        %sign3A_760 = arith.constant 0 : i32
        %sign3A_761 = arith.cmpi slt, %jit3A_748, %sign3A_760 : i32
        %sign3A_762 = arith.extui %sign3A_761 : i1 to i32
        %sign3A_763 = arith.subi %sign3A_759, %sign3A_762 : i32
        %ne3A_764 = arith.cmpi ne, %sign3A_756, %sign3A_763 : i32
        %rem3A_765 = arith.remsi %add3A_747, %jit3A_748 : i32
        %ne3A_766 = arith.constant 0 : i32
        %ne3A_767 = arith.cmpi ne, %rem3A_765, %ne3A_766 : i32
        %and3A_768 = arith.andi %ne3A_764, %ne3A_767 : i1
        %sub3A_769 = arith.constant 1 : i32
        %sub3A_770 = arith.subi %div3A_749, %sub3A_769 : i32
        %select_n3A_771 = arith.select %and3A_768, %sub3A_770, %div3A_749 : i32
        %jit3A_772 = arith.constant 2 : i32
        %eq3A_773 = arith.constant 0 : i32
        %eq3A_774 = arith.cmpi eq, %jit3A_772, %eq3A_773 : i32
        %jit3A_775 = arith.constant 1 : i32
        %select_n3A_776 = arith.select %eq3A_774, %jit3A_775, %jit3A_772 : i32
        %rem3A_777 = arith.remsi %add3A_747, %select_n3A_776 : i32
        %ne3A_778 = arith.constant 0 : i32
        %ne3A_779 = arith.cmpi ne, %rem3A_777, %ne3A_778 : i32
        %lt3A_780 = arith.constant 0 : i32
        %lt3A_781 = arith.cmpi slt, %rem3A_777, %lt3A_780 : i32
        %lt3A_782 = arith.constant 0 : i32
        %lt3A_783 = arith.cmpi slt, %select_n3A_776, %lt3A_782 : i32
        %ne3A_784 = arith.xori %lt3A_781, %lt3A_783 : i1
        %and3A_785 = arith.andi %ne3A_784, %ne3A_779 : i1
        %add3A_786 = arith.addi %rem3A_777, %select_n3A_776 : i32
        %select_n3A_787 = arith.select %and3A_785, %add3A_786, %rem3A_777 : i32
        %mul3A_788 = arith.constant 64 : i32
        %mul3A_789 = arith.muli %select_n3A_787, %mul3A_788 : i32
        %dma_start3A_790 = tpu.memref_slice %arg5[%select_n3A_771, %mul3A_789] : memref<50x128xi32, #tpu.memory_space<vmem>> -> memref<1x64xi32, #tpu.memory_space<vmem>>
        %dma_start3A_791 = tpu.memref_squeeze %dma_start3A_790 : memref<1x64xi32, #tpu.memory_space<vmem>> -> memref<64xi32, #tpu.memory_space<vmem>>
        %dma_start3A_792 = arith.constant 0 : i32
        %dma_start3A_793 = arith.constant 0 : i32
        %dma_start3A_794 = tpu.memref_slice %arg2[%dma_start3A_792, %dma_start3A_793] : memref<100000x128xf32, #tpu.memory_space<hbm>> -> memref<100000x128xf32, #tpu.memory_space<hbm>>
        tpu.enqueue_indirect_dma source(%dma_start3A_794 : memref<100000x128xf32, #tpu.memory_space<hbm>>) target(%arg13 : memref<64x128xf32, #tpu.memory_space<vmem>>) offsets(%dma_start3A_791 : memref<64xi32, #tpu.memory_space<vmem>>) semaphore(%arg23 : memref<!tpu.dma_semaphore, #tpu.memory_space<semaphore_mem>>)
      } else {
      }
      %dma_wait3A_173 = arith.constant 0 : i32
      %dma_wait3A_174 = arith.constant 0 : i32
      %dma_wait3A_175 = tpu.memref_slice %arg2[%dma_wait3A_173, %dma_wait3A_174] : memref<100000x128xf32, #tpu.memory_space<hbm>> -> memref<64x128xf32, #tpu.memory_space<hbm>>
      %dma_wait3A_176 = arith.constant 0 : i32
      %dma_wait3A_177 = arith.constant 0 : i32
      %dma_wait3A_178 = tpu.memref_slice %arg2[%dma_wait3A_176, %dma_wait3A_177] : memref<100000x128xf32, #tpu.memory_space<hbm>> -> memref<64x128xf32, #tpu.memory_space<hbm>>
      tpu.wait_dma2 semaphore(%arg17 : memref<!tpu.dma_semaphore, #tpu.memory_space<semaphore_mem>>) src(%dma_wait3A_178 : memref<64x128xf32, #tpu.memory_space<hbm>>) dst(%arg7 : memref<64x128xf32, #tpu.memory_space<vmem>>)
      %jit3A_179 = arith.constant 2 : i32
      %div3A_180 = arith.divsi %add3A_165, %jit3A_179 : i32
      %sign3A_181 = arith.constant 0 : i32
      %sign3A_182 = arith.cmpi sgt, %add3A_165, %sign3A_181 : i32
      %sign3A_183 = arith.extui %sign3A_182 : i1 to i32
      %sign3A_184 = arith.constant 0 : i32
      %sign3A_185 = arith.cmpi slt, %add3A_165, %sign3A_184 : i32
      %sign3A_186 = arith.extui %sign3A_185 : i1 to i32
      %sign3A_187 = arith.subi %sign3A_183, %sign3A_186 : i32
      %sign3A_188 = arith.constant 0 : i32
      %sign3A_189 = arith.cmpi sgt, %jit3A_179, %sign3A_188 : i32
      %sign3A_190 = arith.extui %sign3A_189 : i1 to i32
      %sign3A_191 = arith.constant 0 : i32
      %sign3A_192 = arith.cmpi slt, %jit3A_179, %sign3A_191 : i32
      %sign3A_193 = arith.extui %sign3A_192 : i1 to i32
      %sign3A_194 = arith.subi %sign3A_190, %sign3A_193 : i32
      %ne3A_195 = arith.cmpi ne, %sign3A_187, %sign3A_194 : i32
      %rem3A_196 = arith.remsi %add3A_165, %jit3A_179 : i32
      %ne3A_197 = arith.constant 0 : i32
      %ne3A_198 = arith.cmpi ne, %rem3A_196, %ne3A_197 : i32
      %and3A_199 = arith.andi %ne3A_195, %ne3A_198 : i1
      %sub3A_200 = arith.constant 1 : i32
      %sub3A_201 = arith.subi %div3A_180, %sub3A_200 : i32
      %select_n3A_202 = arith.select %and3A_199, %sub3A_201, %div3A_180 : i32
      %jit3A_203 = arith.constant 2 : i32
      %eq3A_204 = arith.constant 0 : i32
      %eq3A_205 = arith.cmpi eq, %jit3A_203, %eq3A_204 : i32
      %jit3A_206 = arith.constant 1 : i32
      %select_n3A_207 = arith.select %eq3A_205, %jit3A_206, %jit3A_203 : i32
      %rem3A_208 = arith.remsi %add3A_165, %select_n3A_207 : i32
      %ne3A_209 = arith.constant 0 : i32
      %ne3A_210 = arith.cmpi ne, %rem3A_208, %ne3A_209 : i32
      %lt3A_211 = arith.constant 0 : i32
      %lt3A_212 = arith.cmpi slt, %rem3A_208, %lt3A_211 : i32
      %lt3A_213 = arith.constant 0 : i32
      %lt3A_214 = arith.cmpi slt, %select_n3A_207, %lt3A_213 : i32
      %ne3A_215 = arith.xori %lt3A_212, %lt3A_214 : i1
      %and3A_216 = arith.andi %ne3A_215, %ne3A_210 : i1
      %add3A_217 = arith.addi %rem3A_208, %select_n3A_207 : i32
      %select_n3A_218 = arith.select %and3A_216, %add3A_217, %rem3A_208 : i32
      %mul3A_219 = arith.constant 64 : i32
      %mul3A_220 = arith.muli %select_n3A_218, %mul3A_219 : i32
      %add3A_221 = arith.addi %mul3A_2, %mul3A_220 : i32
      %dma_start3A_222 = arith.constant 0 : i32
      %dma_start3A_223 = tpu.memref_slice %arg4[%select_n3A_202, %add3A_221, %dma_start3A_222] : memref<50x4096x128xf32, #tpu.memory_space<hbm>> -> memref<1x64x128xf32, #tpu.memory_space<hbm>>
      %dma_start3A_224 = tpu.memref_squeeze %dma_start3A_223 : memref<1x64x128xf32, #tpu.memory_space<hbm>> -> memref<64x128xf32, #tpu.memory_space<hbm>>
      %dma_start3A_225 = arith.constant 0 : i32
      %dma_start3A_226 = tpu.memref_slice %arg4[%select_n3A_202, %add3A_221, %dma_start3A_225] : memref<50x4096x128xf32, #tpu.memory_space<hbm>> -> memref<1x64x128xf32, #tpu.memory_space<hbm>>
      %dma_start3A_227 = tpu.memref_squeeze %dma_start3A_226 : memref<1x64x128xf32, #tpu.memory_space<hbm>> -> memref<64x128xf32, #tpu.memory_space<hbm>>
      tpu.enqueue_dma source(%arg7 : memref<64x128xf32, #tpu.memory_space<vmem>>) target(%dma_start3A_227 : memref<64x128xf32, #tpu.memory_space<hbm>>) target_semaphore(%arg27 : memref<!tpu.dma_semaphore, #tpu.memory_space<semaphore_mem>>)
      %add3A_228 = arith.constant 2 : i32
      %add3A_229 = arith.addi %add3A_111, %add3A_228 : i32
      %add3A_230 = arith.constant 6 : i32
      %add3A_231 = arith.addi %add3A_229, %add3A_230 : i32
      %lt3A_232 = arith.constant 100 : i32
      %lt3A_233 = arith.cmpi slt, %add3A_231, %lt3A_232 : i32
      %convert_element_type3A_234 = arith.extui %lt3A_233 : i1 to i32
      %cond3A_235 = arith.constant 0 : i32
      %cond3A_236 = arith.cmpi ne, %convert_element_type3A_234, %cond3A_235 : i32
      scf.if %cond3A_236 {
        %add3A_740 = arith.constant 6 : i32
        %add3A_741 = arith.addi %add3A_229, %add3A_740 : i32
        %ge3A = arith.constant 10 : i32
        %ge3A_742 = arith.cmpi sge, %add3A_741, %ge3A : i32
        %convert_element_type3A_743 = arith.extui %ge3A_742 : i1 to i32
        %cond3A_744 = arith.constant 0 : i32
        %cond3A_745 = arith.cmpi ne, %convert_element_type3A_743, %cond3A_744 : i32
        scf.if %cond3A_745 {
          %dma_wait3A_795 = arith.constant 0 : i32
          %dma_wait3A_796 = arith.constant 0 : i32
          %dma_wait3A_797 = tpu.memref_slice %arg2[%dma_wait3A_795, %dma_wait3A_796] : memref<100000x128xf32, #tpu.memory_space<hbm>> -> memref<64x128xf32, #tpu.memory_space<hbm>>
          %dma_wait3A_798 = arith.constant 0 : i32
          %dma_wait3A_799 = arith.constant 0 : i32
          %dma_wait3A_800 = tpu.memref_slice %arg2[%dma_wait3A_798, %dma_wait3A_799] : memref<100000x128xf32, #tpu.memory_space<hbm>> -> memref<64x128xf32, #tpu.memory_space<hbm>>
          tpu.wait_dma2 semaphore(%arg34 : memref<!tpu.dma_semaphore, #tpu.memory_space<semaphore_mem>>) src(%dma_wait3A_800 : memref<64x128xf32, #tpu.memory_space<hbm>>) dst(%arg14 : memref<64x128xf32, #tpu.memory_space<vmem>>)
        } else {
        }
        %add3A_746 = arith.constant 6 : i32
        %add3A_747 = arith.addi %add3A_229, %add3A_746 : i32
        %jit3A_748 = arith.constant 2 : i32
        %div3A_749 = arith.divsi %add3A_747, %jit3A_748 : i32
        %sign3A_750 = arith.constant 0 : i32
        %sign3A_751 = arith.cmpi sgt, %add3A_747, %sign3A_750 : i32
        %sign3A_752 = arith.extui %sign3A_751 : i1 to i32
        %sign3A_753 = arith.constant 0 : i32
        %sign3A_754 = arith.cmpi slt, %add3A_747, %sign3A_753 : i32
        %sign3A_755 = arith.extui %sign3A_754 : i1 to i32
        %sign3A_756 = arith.subi %sign3A_752, %sign3A_755 : i32
        %sign3A_757 = arith.constant 0 : i32
        %sign3A_758 = arith.cmpi sgt, %jit3A_748, %sign3A_757 : i32
        %sign3A_759 = arith.extui %sign3A_758 : i1 to i32
        %sign3A_760 = arith.constant 0 : i32
        %sign3A_761 = arith.cmpi slt, %jit3A_748, %sign3A_760 : i32
        %sign3A_762 = arith.extui %sign3A_761 : i1 to i32
        %sign3A_763 = arith.subi %sign3A_759, %sign3A_762 : i32
        %ne3A_764 = arith.cmpi ne, %sign3A_756, %sign3A_763 : i32
        %rem3A_765 = arith.remsi %add3A_747, %jit3A_748 : i32
        %ne3A_766 = arith.constant 0 : i32
        %ne3A_767 = arith.cmpi ne, %rem3A_765, %ne3A_766 : i32
        %and3A_768 = arith.andi %ne3A_764, %ne3A_767 : i1
        %sub3A_769 = arith.constant 1 : i32
        %sub3A_770 = arith.subi %div3A_749, %sub3A_769 : i32
        %select_n3A_771 = arith.select %and3A_768, %sub3A_770, %div3A_749 : i32
        %jit3A_772 = arith.constant 2 : i32
        %eq3A_773 = arith.constant 0 : i32
        %eq3A_774 = arith.cmpi eq, %jit3A_772, %eq3A_773 : i32
        %jit3A_775 = arith.constant 1 : i32
        %select_n3A_776 = arith.select %eq3A_774, %jit3A_775, %jit3A_772 : i32
        %rem3A_777 = arith.remsi %add3A_747, %select_n3A_776 : i32
        %ne3A_778 = arith.constant 0 : i32
        %ne3A_779 = arith.cmpi ne, %rem3A_777, %ne3A_778 : i32
        %lt3A_780 = arith.constant 0 : i32
        %lt3A_781 = arith.cmpi slt, %rem3A_777, %lt3A_780 : i32
        %lt3A_782 = arith.constant 0 : i32
        %lt3A_783 = arith.cmpi slt, %select_n3A_776, %lt3A_782 : i32
        %ne3A_784 = arith.xori %lt3A_781, %lt3A_783 : i1
        %and3A_785 = arith.andi %ne3A_784, %ne3A_779 : i1
        %add3A_786 = arith.addi %rem3A_777, %select_n3A_776 : i32
        %select_n3A_787 = arith.select %and3A_785, %add3A_786, %rem3A_777 : i32
        %mul3A_788 = arith.constant 64 : i32
        %mul3A_789 = arith.muli %select_n3A_787, %mul3A_788 : i32
        %dma_start3A_790 = tpu.memref_slice %arg5[%select_n3A_771, %mul3A_789] : memref<50x128xi32, #tpu.memory_space<vmem>> -> memref<1x64xi32, #tpu.memory_space<vmem>>
        %dma_start3A_791 = tpu.memref_squeeze %dma_start3A_790 : memref<1x64xi32, #tpu.memory_space<vmem>> -> memref<64xi32, #tpu.memory_space<vmem>>
        %dma_start3A_792 = arith.constant 0 : i32
        %dma_start3A_793 = arith.constant 0 : i32
        %dma_start3A_794 = tpu.memref_slice %arg2[%dma_start3A_792, %dma_start3A_793] : memref<100000x128xf32, #tpu.memory_space<hbm>> -> memref<100000x128xf32, #tpu.memory_space<hbm>>
        tpu.enqueue_indirect_dma source(%dma_start3A_794 : memref<100000x128xf32, #tpu.memory_space<hbm>>) target(%arg14 : memref<64x128xf32, #tpu.memory_space<vmem>>) offsets(%dma_start3A_791 : memref<64xi32, #tpu.memory_space<vmem>>) semaphore(%arg24 : memref<!tpu.dma_semaphore, #tpu.memory_space<semaphore_mem>>)
      } else {
      }
      %dma_wait3A_237 = arith.constant 0 : i32
      %dma_wait3A_238 = arith.constant 0 : i32
      %dma_wait3A_239 = tpu.memref_slice %arg2[%dma_wait3A_237, %dma_wait3A_238] : memref<100000x128xf32, #tpu.memory_space<hbm>> -> memref<64x128xf32, #tpu.memory_space<hbm>>
      %dma_wait3A_240 = arith.constant 0 : i32
      %dma_wait3A_241 = arith.constant 0 : i32
      %dma_wait3A_242 = tpu.memref_slice %arg2[%dma_wait3A_240, %dma_wait3A_241] : memref<100000x128xf32, #tpu.memory_space<hbm>> -> memref<64x128xf32, #tpu.memory_space<hbm>>
      tpu.wait_dma2 semaphore(%arg18 : memref<!tpu.dma_semaphore, #tpu.memory_space<semaphore_mem>>) src(%dma_wait3A_242 : memref<64x128xf32, #tpu.memory_space<hbm>>) dst(%arg8 : memref<64x128xf32, #tpu.memory_space<vmem>>)
      %jit3A_243 = arith.constant 2 : i32
      %div3A_244 = arith.divsi %add3A_229, %jit3A_243 : i32
      %sign3A_245 = arith.constant 0 : i32
      %sign3A_246 = arith.cmpi sgt, %add3A_229, %sign3A_245 : i32
      %sign3A_247 = arith.extui %sign3A_246 : i1 to i32
      %sign3A_248 = arith.constant 0 : i32
      %sign3A_249 = arith.cmpi slt, %add3A_229, %sign3A_248 : i32
      %sign3A_250 = arith.extui %sign3A_249 : i1 to i32
      %sign3A_251 = arith.subi %sign3A_247, %sign3A_250 : i32
      %sign3A_252 = arith.constant 0 : i32
      %sign3A_253 = arith.cmpi sgt, %jit3A_243, %sign3A_252 : i32
      %sign3A_254 = arith.extui %sign3A_253 : i1 to i32
      %sign3A_255 = arith.constant 0 : i32
      %sign3A_256 = arith.cmpi slt, %jit3A_243, %sign3A_255 : i32
      %sign3A_257 = arith.extui %sign3A_256 : i1 to i32
      %sign3A_258 = arith.subi %sign3A_254, %sign3A_257 : i32
      %ne3A_259 = arith.cmpi ne, %sign3A_251, %sign3A_258 : i32
      %rem3A_260 = arith.remsi %add3A_229, %jit3A_243 : i32
      %ne3A_261 = arith.constant 0 : i32
      %ne3A_262 = arith.cmpi ne, %rem3A_260, %ne3A_261 : i32
      %and3A_263 = arith.andi %ne3A_259, %ne3A_262 : i1
      %sub3A_264 = arith.constant 1 : i32
      %sub3A_265 = arith.subi %div3A_244, %sub3A_264 : i32
      %select_n3A_266 = arith.select %and3A_263, %sub3A_265, %div3A_244 : i32
      %jit3A_267 = arith.constant 2 : i32
      %eq3A_268 = arith.constant 0 : i32
      %eq3A_269 = arith.cmpi eq, %jit3A_267, %eq3A_268 : i32
      %jit3A_270 = arith.constant 1 : i32
      %select_n3A_271 = arith.select %eq3A_269, %jit3A_270, %jit3A_267 : i32
      %rem3A_272 = arith.remsi %add3A_229, %select_n3A_271 : i32
      %ne3A_273 = arith.constant 0 : i32
      %ne3A_274 = arith.cmpi ne, %rem3A_272, %ne3A_273 : i32
      %lt3A_275 = arith.constant 0 : i32
      %lt3A_276 = arith.cmpi slt, %rem3A_272, %lt3A_275 : i32
      %lt3A_277 = arith.constant 0 : i32
      %lt3A_278 = arith.cmpi slt, %select_n3A_271, %lt3A_277 : i32
      %ne3A_279 = arith.xori %lt3A_276, %lt3A_278 : i1
      %and3A_280 = arith.andi %ne3A_279, %ne3A_274 : i1
      %add3A_281 = arith.addi %rem3A_272, %select_n3A_271 : i32
      %select_n3A_282 = arith.select %and3A_280, %add3A_281, %rem3A_272 : i32
      %mul3A_283 = arith.constant 64 : i32
      %mul3A_284 = arith.muli %select_n3A_282, %mul3A_283 : i32
      %add3A_285 = arith.addi %mul3A_2, %mul3A_284 : i32
      %dma_start3A_286 = arith.constant 0 : i32
      %dma_start3A_287 = tpu.memref_slice %arg4[%select_n3A_266, %add3A_285, %dma_start3A_286] : memref<50x4096x128xf32, #tpu.memory_space<hbm>> -> memref<1x64x128xf32, #tpu.memory_space<hbm>>
      %dma_start3A_288 = tpu.memref_squeeze %dma_start3A_287 : memref<1x64x128xf32, #tpu.memory_space<hbm>> -> memref<64x128xf32, #tpu.memory_space<hbm>>
      %dma_start3A_289 = arith.constant 0 : i32
      %dma_start3A_290 = tpu.memref_slice %arg4[%select_n3A_266, %add3A_285, %dma_start3A_289] : memref<50x4096x128xf32, #tpu.memory_space<hbm>> -> memref<1x64x128xf32, #tpu.memory_space<hbm>>
      %dma_start3A_291 = tpu.memref_squeeze %dma_start3A_290 : memref<1x64x128xf32, #tpu.memory_space<hbm>> -> memref<64x128xf32, #tpu.memory_space<hbm>>
      tpu.enqueue_dma source(%arg8 : memref<64x128xf32, #tpu.memory_space<vmem>>) target(%dma_start3A_291 : memref<64x128xf32, #tpu.memory_space<hbm>>) target_semaphore(%arg28 : memref<!tpu.dma_semaphore, #tpu.memory_space<semaphore_mem>>)
      %add3A_292 = arith.constant 3 : i32
      %add3A_293 = arith.addi %add3A_111, %add3A_292 : i32
      %add3A_294 = arith.constant 6 : i32
      %add3A_295 = arith.addi %add3A_293, %add3A_294 : i32
      %lt3A_296 = arith.constant 100 : i32
      %lt3A_297 = arith.cmpi slt, %add3A_295, %lt3A_296 : i32
      %convert_element_type3A_298 = arith.extui %lt3A_297 : i1 to i32
      %cond3A_299 = arith.constant 0 : i32
      %cond3A_300 = arith.cmpi ne, %convert_element_type3A_298, %cond3A_299 : i32
      scf.if %cond3A_300 {
        %add3A_740 = arith.constant 6 : i32
        %add3A_741 = arith.addi %add3A_293, %add3A_740 : i32
        %ge3A = arith.constant 10 : i32
        %ge3A_742 = arith.cmpi sge, %add3A_741, %ge3A : i32
        %convert_element_type3A_743 = arith.extui %ge3A_742 : i1 to i32
        %cond3A_744 = arith.constant 0 : i32
        %cond3A_745 = arith.cmpi ne, %convert_element_type3A_743, %cond3A_744 : i32
        scf.if %cond3A_745 {
          %dma_wait3A_795 = arith.constant 0 : i32
          %dma_wait3A_796 = arith.constant 0 : i32
          %dma_wait3A_797 = tpu.memref_slice %arg2[%dma_wait3A_795, %dma_wait3A_796] : memref<100000x128xf32, #tpu.memory_space<hbm>> -> memref<64x128xf32, #tpu.memory_space<hbm>>
          %dma_wait3A_798 = arith.constant 0 : i32
          %dma_wait3A_799 = arith.constant 0 : i32
          %dma_wait3A_800 = tpu.memref_slice %arg2[%dma_wait3A_798, %dma_wait3A_799] : memref<100000x128xf32, #tpu.memory_space<hbm>> -> memref<64x128xf32, #tpu.memory_space<hbm>>
          tpu.wait_dma2 semaphore(%arg35 : memref<!tpu.dma_semaphore, #tpu.memory_space<semaphore_mem>>) src(%dma_wait3A_800 : memref<64x128xf32, #tpu.memory_space<hbm>>) dst(%arg15 : memref<64x128xf32, #tpu.memory_space<vmem>>)
        } else {
        }
        %add3A_746 = arith.constant 6 : i32
        %add3A_747 = arith.addi %add3A_293, %add3A_746 : i32
        %jit3A_748 = arith.constant 2 : i32
        %div3A_749 = arith.divsi %add3A_747, %jit3A_748 : i32
        %sign3A_750 = arith.constant 0 : i32
        %sign3A_751 = arith.cmpi sgt, %add3A_747, %sign3A_750 : i32
        %sign3A_752 = arith.extui %sign3A_751 : i1 to i32
        %sign3A_753 = arith.constant 0 : i32
        %sign3A_754 = arith.cmpi slt, %add3A_747, %sign3A_753 : i32
        %sign3A_755 = arith.extui %sign3A_754 : i1 to i32
        %sign3A_756 = arith.subi %sign3A_752, %sign3A_755 : i32
        %sign3A_757 = arith.constant 0 : i32
        %sign3A_758 = arith.cmpi sgt, %jit3A_748, %sign3A_757 : i32
        %sign3A_759 = arith.extui %sign3A_758 : i1 to i32
        %sign3A_760 = arith.constant 0 : i32
        %sign3A_761 = arith.cmpi slt, %jit3A_748, %sign3A_760 : i32
        %sign3A_762 = arith.extui %sign3A_761 : i1 to i32
        %sign3A_763 = arith.subi %sign3A_759, %sign3A_762 : i32
        %ne3A_764 = arith.cmpi ne, %sign3A_756, %sign3A_763 : i32
        %rem3A_765 = arith.remsi %add3A_747, %jit3A_748 : i32
        %ne3A_766 = arith.constant 0 : i32
        %ne3A_767 = arith.cmpi ne, %rem3A_765, %ne3A_766 : i32
        %and3A_768 = arith.andi %ne3A_764, %ne3A_767 : i1
        %sub3A_769 = arith.constant 1 : i32
        %sub3A_770 = arith.subi %div3A_749, %sub3A_769 : i32
        %select_n3A_771 = arith.select %and3A_768, %sub3A_770, %div3A_749 : i32
        %jit3A_772 = arith.constant 2 : i32
        %eq3A_773 = arith.constant 0 : i32
        %eq3A_774 = arith.cmpi eq, %jit3A_772, %eq3A_773 : i32
        %jit3A_775 = arith.constant 1 : i32
        %select_n3A_776 = arith.select %eq3A_774, %jit3A_775, %jit3A_772 : i32
        %rem3A_777 = arith.remsi %add3A_747, %select_n3A_776 : i32
        %ne3A_778 = arith.constant 0 : i32
        %ne3A_779 = arith.cmpi ne, %rem3A_777, %ne3A_778 : i32
        %lt3A_780 = arith.constant 0 : i32
        %lt3A_781 = arith.cmpi slt, %rem3A_777, %lt3A_780 : i32
        %lt3A_782 = arith.constant 0 : i32
        %lt3A_783 = arith.cmpi slt, %select_n3A_776, %lt3A_782 : i32
        %ne3A_784 = arith.xori %lt3A_781, %lt3A_783 : i1
        %and3A_785 = arith.andi %ne3A_784, %ne3A_779 : i1
        %add3A_786 = arith.addi %rem3A_777, %select_n3A_776 : i32
        %select_n3A_787 = arith.select %and3A_785, %add3A_786, %rem3A_777 : i32
        %mul3A_788 = arith.constant 64 : i32
        %mul3A_789 = arith.muli %select_n3A_787, %mul3A_788 : i32
        %dma_start3A_790 = tpu.memref_slice %arg5[%select_n3A_771, %mul3A_789] : memref<50x128xi32, #tpu.memory_space<vmem>> -> memref<1x64xi32, #tpu.memory_space<vmem>>
        %dma_start3A_791 = tpu.memref_squeeze %dma_start3A_790 : memref<1x64xi32, #tpu.memory_space<vmem>> -> memref<64xi32, #tpu.memory_space<vmem>>
        %dma_start3A_792 = arith.constant 0 : i32
        %dma_start3A_793 = arith.constant 0 : i32
        %dma_start3A_794 = tpu.memref_slice %arg2[%dma_start3A_792, %dma_start3A_793] : memref<100000x128xf32, #tpu.memory_space<hbm>> -> memref<100000x128xf32, #tpu.memory_space<hbm>>
        tpu.enqueue_indirect_dma source(%dma_start3A_794 : memref<100000x128xf32, #tpu.memory_space<hbm>>) target(%arg15 : memref<64x128xf32, #tpu.memory_space<vmem>>) offsets(%dma_start3A_791 : memref<64xi32, #tpu.memory_space<vmem>>) semaphore(%arg25 : memref<!tpu.dma_semaphore, #tpu.memory_space<semaphore_mem>>)
      } else {
      }
      %dma_wait3A_301 = arith.constant 0 : i32
      %dma_wait3A_302 = arith.constant 0 : i32
      %dma_wait3A_303 = tpu.memref_slice %arg2[%dma_wait3A_301, %dma_wait3A_302] : memref<100000x128xf32, #tpu.memory_space<hbm>> -> memref<64x128xf32, #tpu.memory_space<hbm>>
      %dma_wait3A_304 = arith.constant 0 : i32
      %dma_wait3A_305 = arith.constant 0 : i32
      %dma_wait3A_306 = tpu.memref_slice %arg2[%dma_wait3A_304, %dma_wait3A_305] : memref<100000x128xf32, #tpu.memory_space<hbm>> -> memref<64x128xf32, #tpu.memory_space<hbm>>
      tpu.wait_dma2 semaphore(%arg19 : memref<!tpu.dma_semaphore, #tpu.memory_space<semaphore_mem>>) src(%dma_wait3A_306 : memref<64x128xf32, #tpu.memory_space<hbm>>) dst(%arg9 : memref<64x128xf32, #tpu.memory_space<vmem>>)
      %jit3A_307 = arith.constant 2 : i32
      %div3A_308 = arith.divsi %add3A_293, %jit3A_307 : i32
      %sign3A_309 = arith.constant 0 : i32
      %sign3A_310 = arith.cmpi sgt, %add3A_293, %sign3A_309 : i32
      %sign3A_311 = arith.extui %sign3A_310 : i1 to i32
      %sign3A_312 = arith.constant 0 : i32
      %sign3A_313 = arith.cmpi slt, %add3A_293, %sign3A_312 : i32
      %sign3A_314 = arith.extui %sign3A_313 : i1 to i32
      %sign3A_315 = arith.subi %sign3A_311, %sign3A_314 : i32
      %sign3A_316 = arith.constant 0 : i32
      %sign3A_317 = arith.cmpi sgt, %jit3A_307, %sign3A_316 : i32
      %sign3A_318 = arith.extui %sign3A_317 : i1 to i32
      %sign3A_319 = arith.constant 0 : i32
      %sign3A_320 = arith.cmpi slt, %jit3A_307, %sign3A_319 : i32
      %sign3A_321 = arith.extui %sign3A_320 : i1 to i32
      %sign3A_322 = arith.subi %sign3A_318, %sign3A_321 : i32
      %ne3A_323 = arith.cmpi ne, %sign3A_315, %sign3A_322 : i32
      %rem3A_324 = arith.remsi %add3A_293, %jit3A_307 : i32
      %ne3A_325 = arith.constant 0 : i32
      %ne3A_326 = arith.cmpi ne, %rem3A_324, %ne3A_325 : i32
      %and3A_327 = arith.andi %ne3A_323, %ne3A_326 : i1
      %sub3A_328 = arith.constant 1 : i32
      %sub3A_329 = arith.subi %div3A_308, %sub3A_328 : i32
      %select_n3A_330 = arith.select %and3A_327, %sub3A_329, %div3A_308 : i32
      %jit3A_331 = arith.constant 2 : i32
      %eq3A_332 = arith.constant 0 : i32
      %eq3A_333 = arith.cmpi eq, %jit3A_331, %eq3A_332 : i32
      %jit3A_334 = arith.constant 1 : i32
      %select_n3A_335 = arith.select %eq3A_333, %jit3A_334, %jit3A_331 : i32
      %rem3A_336 = arith.remsi %add3A_293, %select_n3A_335 : i32
      %ne3A_337 = arith.constant 0 : i32
      %ne3A_338 = arith.cmpi ne, %rem3A_336, %ne3A_337 : i32
      %lt3A_339 = arith.constant 0 : i32
      %lt3A_340 = arith.cmpi slt, %rem3A_336, %lt3A_339 : i32
      %lt3A_341 = arith.constant 0 : i32
      %lt3A_342 = arith.cmpi slt, %select_n3A_335, %lt3A_341 : i32
      %ne3A_343 = arith.xori %lt3A_340, %lt3A_342 : i1
      %and3A_344 = arith.andi %ne3A_343, %ne3A_338 : i1
      %add3A_345 = arith.addi %rem3A_336, %select_n3A_335 : i32
      %select_n3A_346 = arith.select %and3A_344, %add3A_345, %rem3A_336 : i32
      %mul3A_347 = arith.constant 64 : i32
      %mul3A_348 = arith.muli %select_n3A_346, %mul3A_347 : i32
      %add3A_349 = arith.addi %mul3A_2, %mul3A_348 : i32
      %dma_start3A_350 = arith.constant 0 : i32
      %dma_start3A_351 = tpu.memref_slice %arg4[%select_n3A_330, %add3A_349, %dma_start3A_350] : memref<50x4096x128xf32, #tpu.memory_space<hbm>> -> memref<1x64x128xf32, #tpu.memory_space<hbm>>
      %dma_start3A_352 = tpu.memref_squeeze %dma_start3A_351 : memref<1x64x128xf32, #tpu.memory_space<hbm>> -> memref<64x128xf32, #tpu.memory_space<hbm>>
      %dma_start3A_353 = arith.constant 0 : i32
      %dma_start3A_354 = tpu.memref_slice %arg4[%select_n3A_330, %add3A_349, %dma_start3A_353] : memref<50x4096x128xf32, #tpu.memory_space<hbm>> -> memref<1x64x128xf32, #tpu.memory_space<hbm>>
      %dma_start3A_355 = tpu.memref_squeeze %dma_start3A_354 : memref<1x64x128xf32, #tpu.memory_space<hbm>> -> memref<64x128xf32, #tpu.memory_space<hbm>>
      tpu.enqueue_dma source(%arg9 : memref<64x128xf32, #tpu.memory_space<vmem>>) target(%dma_start3A_355 : memref<64x128xf32, #tpu.memory_space<hbm>>) target_semaphore(%arg29 : memref<!tpu.dma_semaphore, #tpu.memory_space<semaphore_mem>>)
      %add3A_356 = arith.constant 4 : i32
      %add3A_357 = arith.addi %add3A_111, %add3A_356 : i32
      %add3A_358 = arith.constant 6 : i32
      %add3A_359 = arith.addi %add3A_357, %add3A_358 : i32
      %lt3A_360 = arith.constant 100 : i32
      %lt3A_361 = arith.cmpi slt, %add3A_359, %lt3A_360 : i32
      %convert_element_type3A_362 = arith.extui %lt3A_361 : i1 to i32
      %cond3A_363 = arith.constant 0 : i32
      %cond3A_364 = arith.cmpi ne, %convert_element_type3A_362, %cond3A_363 : i32
      scf.if %cond3A_364 {
        %add3A_740 = arith.constant 6 : i32
        %add3A_741 = arith.addi %add3A_357, %add3A_740 : i32
        %ge3A = arith.constant 10 : i32
        %ge3A_742 = arith.cmpi sge, %add3A_741, %ge3A : i32
        %convert_element_type3A_743 = arith.extui %ge3A_742 : i1 to i32
        %cond3A_744 = arith.constant 0 : i32
        %cond3A_745 = arith.cmpi ne, %convert_element_type3A_743, %cond3A_744 : i32
        scf.if %cond3A_745 {
          %dma_wait3A_795 = arith.constant 0 : i32
          %dma_wait3A_796 = arith.constant 0 : i32
          %dma_wait3A_797 = tpu.memref_slice %arg2[%dma_wait3A_795, %dma_wait3A_796] : memref<100000x128xf32, #tpu.memory_space<hbm>> -> memref<64x128xf32, #tpu.memory_space<hbm>>
          %dma_wait3A_798 = arith.constant 0 : i32
          %dma_wait3A_799 = arith.constant 0 : i32
          %dma_wait3A_800 = tpu.memref_slice %arg2[%dma_wait3A_798, %dma_wait3A_799] : memref<100000x128xf32, #tpu.memory_space<hbm>> -> memref<64x128xf32, #tpu.memory_space<hbm>>
          tpu.wait_dma2 semaphore(%arg26 : memref<!tpu.dma_semaphore, #tpu.memory_space<semaphore_mem>>) src(%dma_wait3A_800 : memref<64x128xf32, #tpu.memory_space<hbm>>) dst(%arg6 : memref<64x128xf32, #tpu.memory_space<vmem>>)
        } else {
        }
        %add3A_746 = arith.constant 6 : i32
        %add3A_747 = arith.addi %add3A_357, %add3A_746 : i32
        %jit3A_748 = arith.constant 2 : i32
        %div3A_749 = arith.divsi %add3A_747, %jit3A_748 : i32
        %sign3A_750 = arith.constant 0 : i32
        %sign3A_751 = arith.cmpi sgt, %add3A_747, %sign3A_750 : i32
        %sign3A_752 = arith.extui %sign3A_751 : i1 to i32
        %sign3A_753 = arith.constant 0 : i32
        %sign3A_754 = arith.cmpi slt, %add3A_747, %sign3A_753 : i32
        %sign3A_755 = arith.extui %sign3A_754 : i1 to i32
        %sign3A_756 = arith.subi %sign3A_752, %sign3A_755 : i32
        %sign3A_757 = arith.constant 0 : i32
        %sign3A_758 = arith.cmpi sgt, %jit3A_748, %sign3A_757 : i32
        %sign3A_759 = arith.extui %sign3A_758 : i1 to i32
        %sign3A_760 = arith.constant 0 : i32
        %sign3A_761 = arith.cmpi slt, %jit3A_748, %sign3A_760 : i32
        %sign3A_762 = arith.extui %sign3A_761 : i1 to i32
        %sign3A_763 = arith.subi %sign3A_759, %sign3A_762 : i32
        %ne3A_764 = arith.cmpi ne, %sign3A_756, %sign3A_763 : i32
        %rem3A_765 = arith.remsi %add3A_747, %jit3A_748 : i32
        %ne3A_766 = arith.constant 0 : i32
        %ne3A_767 = arith.cmpi ne, %rem3A_765, %ne3A_766 : i32
        %and3A_768 = arith.andi %ne3A_764, %ne3A_767 : i1
        %sub3A_769 = arith.constant 1 : i32
        %sub3A_770 = arith.subi %div3A_749, %sub3A_769 : i32
        %select_n3A_771 = arith.select %and3A_768, %sub3A_770, %div3A_749 : i32
        %jit3A_772 = arith.constant 2 : i32
        %eq3A_773 = arith.constant 0 : i32
        %eq3A_774 = arith.cmpi eq, %jit3A_772, %eq3A_773 : i32
        %jit3A_775 = arith.constant 1 : i32
        %select_n3A_776 = arith.select %eq3A_774, %jit3A_775, %jit3A_772 : i32
        %rem3A_777 = arith.remsi %add3A_747, %select_n3A_776 : i32
        %ne3A_778 = arith.constant 0 : i32
        %ne3A_779 = arith.cmpi ne, %rem3A_777, %ne3A_778 : i32
        %lt3A_780 = arith.constant 0 : i32
        %lt3A_781 = arith.cmpi slt, %rem3A_777, %lt3A_780 : i32
        %lt3A_782 = arith.constant 0 : i32
        %lt3A_783 = arith.cmpi slt, %select_n3A_776, %lt3A_782 : i32
        %ne3A_784 = arith.xori %lt3A_781, %lt3A_783 : i1
        %and3A_785 = arith.andi %ne3A_784, %ne3A_779 : i1
        %add3A_786 = arith.addi %rem3A_777, %select_n3A_776 : i32
        %select_n3A_787 = arith.select %and3A_785, %add3A_786, %rem3A_777 : i32
        %mul3A_788 = arith.constant 64 : i32
        %mul3A_789 = arith.muli %select_n3A_787, %mul3A_788 : i32
        %dma_start3A_790 = tpu.memref_slice %arg5[%select_n3A_771, %mul3A_789] : memref<50x128xi32, #tpu.memory_space<vmem>> -> memref<1x64xi32, #tpu.memory_space<vmem>>
        %dma_start3A_791 = tpu.memref_squeeze %dma_start3A_790 : memref<1x64xi32, #tpu.memory_space<vmem>> -> memref<64xi32, #tpu.memory_space<vmem>>
        %dma_start3A_792 = arith.constant 0 : i32
        %dma_start3A_793 = arith.constant 0 : i32
        %dma_start3A_794 = tpu.memref_slice %arg2[%dma_start3A_792, %dma_start3A_793] : memref<100000x128xf32, #tpu.memory_space<hbm>> -> memref<100000x128xf32, #tpu.memory_space<hbm>>
        tpu.enqueue_indirect_dma source(%dma_start3A_794 : memref<100000x128xf32, #tpu.memory_space<hbm>>) target(%arg6 : memref<64x128xf32, #tpu.memory_space<vmem>>) offsets(%dma_start3A_791 : memref<64xi32, #tpu.memory_space<vmem>>) semaphore(%arg16 : memref<!tpu.dma_semaphore, #tpu.memory_space<semaphore_mem>>)
      } else {
      }
      %dma_wait3A_365 = arith.constant 0 : i32
      %dma_wait3A_366 = arith.constant 0 : i32
      %dma_wait3A_367 = tpu.memref_slice %arg2[%dma_wait3A_365, %dma_wait3A_366] : memref<100000x128xf32, #tpu.memory_space<hbm>> -> memref<64x128xf32, #tpu.memory_space<hbm>>
      %dma_wait3A_368 = arith.constant 0 : i32
      %dma_wait3A_369 = arith.constant 0 : i32
      %dma_wait3A_370 = tpu.memref_slice %arg2[%dma_wait3A_368, %dma_wait3A_369] : memref<100000x128xf32, #tpu.memory_space<hbm>> -> memref<64x128xf32, #tpu.memory_space<hbm>>
      tpu.wait_dma2 semaphore(%arg20 : memref<!tpu.dma_semaphore, #tpu.memory_space<semaphore_mem>>) src(%dma_wait3A_370 : memref<64x128xf32, #tpu.memory_space<hbm>>) dst(%arg10 : memref<64x128xf32, #tpu.memory_space<vmem>>)
      %jit3A_371 = arith.constant 2 : i32
      %div3A_372 = arith.divsi %add3A_357, %jit3A_371 : i32
      %sign3A_373 = arith.constant 0 : i32
      %sign3A_374 = arith.cmpi sgt, %add3A_357, %sign3A_373 : i32
      %sign3A_375 = arith.extui %sign3A_374 : i1 to i32
      %sign3A_376 = arith.constant 0 : i32
      %sign3A_377 = arith.cmpi slt, %add3A_357, %sign3A_376 : i32
      %sign3A_378 = arith.extui %sign3A_377 : i1 to i32
      %sign3A_379 = arith.subi %sign3A_375, %sign3A_378 : i32
      %sign3A_380 = arith.constant 0 : i32
      %sign3A_381 = arith.cmpi sgt, %jit3A_371, %sign3A_380 : i32
      %sign3A_382 = arith.extui %sign3A_381 : i1 to i32
      %sign3A_383 = arith.constant 0 : i32
      %sign3A_384 = arith.cmpi slt, %jit3A_371, %sign3A_383 : i32
      %sign3A_385 = arith.extui %sign3A_384 : i1 to i32
      %sign3A_386 = arith.subi %sign3A_382, %sign3A_385 : i32
      %ne3A_387 = arith.cmpi ne, %sign3A_379, %sign3A_386 : i32
      %rem3A_388 = arith.remsi %add3A_357, %jit3A_371 : i32
      %ne3A_389 = arith.constant 0 : i32
      %ne3A_390 = arith.cmpi ne, %rem3A_388, %ne3A_389 : i32
      %and3A_391 = arith.andi %ne3A_387, %ne3A_390 : i1
      %sub3A_392 = arith.constant 1 : i32
      %sub3A_393 = arith.subi %div3A_372, %sub3A_392 : i32
      %select_n3A_394 = arith.select %and3A_391, %sub3A_393, %div3A_372 : i32
      %jit3A_395 = arith.constant 2 : i32
      %eq3A_396 = arith.constant 0 : i32
      %eq3A_397 = arith.cmpi eq, %jit3A_395, %eq3A_396 : i32
      %jit3A_398 = arith.constant 1 : i32
      %select_n3A_399 = arith.select %eq3A_397, %jit3A_398, %jit3A_395 : i32
      %rem3A_400 = arith.remsi %add3A_357, %select_n3A_399 : i32
      %ne3A_401 = arith.constant 0 : i32
      %ne3A_402 = arith.cmpi ne, %rem3A_400, %ne3A_401 : i32
      %lt3A_403 = arith.constant 0 : i32
      %lt3A_404 = arith.cmpi slt, %rem3A_400, %lt3A_403 : i32
      %lt3A_405 = arith.constant 0 : i32
      %lt3A_406 = arith.cmpi slt, %select_n3A_399, %lt3A_405 : i32
      %ne3A_407 = arith.xori %lt3A_404, %lt3A_406 : i1
      %and3A_408 = arith.andi %ne3A_407, %ne3A_402 : i1
      %add3A_409 = arith.addi %rem3A_400, %select_n3A_399 : i32
      %select_n3A_410 = arith.select %and3A_408, %add3A_409, %rem3A_400 : i32
      %mul3A_411 = arith.constant 64 : i32
      %mul3A_412 = arith.muli %select_n3A_410, %mul3A_411 : i32
      %add3A_413 = arith.addi %mul3A_2, %mul3A_412 : i32
      %dma_start3A_414 = arith.constant 0 : i32
      %dma_start3A_415 = tpu.memref_slice %arg4[%select_n3A_394, %add3A_413, %dma_start3A_414] : memref<50x4096x128xf32, #tpu.memory_space<hbm>> -> memref<1x64x128xf32, #tpu.memory_space<hbm>>
      %dma_start3A_416 = tpu.memref_squeeze %dma_start3A_415 : memref<1x64x128xf32, #tpu.memory_space<hbm>> -> memref<64x128xf32, #tpu.memory_space<hbm>>
      %dma_start3A_417 = arith.constant 0 : i32
      %dma_start3A_418 = tpu.memref_slice %arg4[%select_n3A_394, %add3A_413, %dma_start3A_417] : memref<50x4096x128xf32, #tpu.memory_space<hbm>> -> memref<1x64x128xf32, #tpu.memory_space<hbm>>
      %dma_start3A_419 = tpu.memref_squeeze %dma_start3A_418 : memref<1x64x128xf32, #tpu.memory_space<hbm>> -> memref<64x128xf32, #tpu.memory_space<hbm>>
      tpu.enqueue_dma source(%arg10 : memref<64x128xf32, #tpu.memory_space<vmem>>) target(%dma_start3A_419 : memref<64x128xf32, #tpu.memory_space<hbm>>) target_semaphore(%arg30 : memref<!tpu.dma_semaphore, #tpu.memory_space<semaphore_mem>>)
      %add3A_420 = arith.constant 5 : i32
      %add3A_421 = arith.addi %add3A_111, %add3A_420 : i32
      %add3A_422 = arith.constant 6 : i32
      %add3A_423 = arith.addi %add3A_421, %add3A_422 : i32
      %lt3A_424 = arith.constant 100 : i32
      %lt3A_425 = arith.cmpi slt, %add3A_423, %lt3A_424 : i32
      %convert_element_type3A_426 = arith.extui %lt3A_425 : i1 to i32
      %cond3A_427 = arith.constant 0 : i32
      %cond3A_428 = arith.cmpi ne, %convert_element_type3A_426, %cond3A_427 : i32
      scf.if %cond3A_428 {
        %add3A_740 = arith.constant 6 : i32
        %add3A_741 = arith.addi %add3A_421, %add3A_740 : i32
        %ge3A = arith.constant 10 : i32
        %ge3A_742 = arith.cmpi sge, %add3A_741, %ge3A : i32
        %convert_element_type3A_743 = arith.extui %ge3A_742 : i1 to i32
        %cond3A_744 = arith.constant 0 : i32
        %cond3A_745 = arith.cmpi ne, %convert_element_type3A_743, %cond3A_744 : i32
        scf.if %cond3A_745 {
          %dma_wait3A_795 = arith.constant 0 : i32
          %dma_wait3A_796 = arith.constant 0 : i32
          %dma_wait3A_797 = tpu.memref_slice %arg2[%dma_wait3A_795, %dma_wait3A_796] : memref<100000x128xf32, #tpu.memory_space<hbm>> -> memref<64x128xf32, #tpu.memory_space<hbm>>
          %dma_wait3A_798 = arith.constant 0 : i32
          %dma_wait3A_799 = arith.constant 0 : i32
          %dma_wait3A_800 = tpu.memref_slice %arg2[%dma_wait3A_798, %dma_wait3A_799] : memref<100000x128xf32, #tpu.memory_space<hbm>> -> memref<64x128xf32, #tpu.memory_space<hbm>>
          tpu.wait_dma2 semaphore(%arg27 : memref<!tpu.dma_semaphore, #tpu.memory_space<semaphore_mem>>) src(%dma_wait3A_800 : memref<64x128xf32, #tpu.memory_space<hbm>>) dst(%arg7 : memref<64x128xf32, #tpu.memory_space<vmem>>)
        } else {
        }
        %add3A_746 = arith.constant 6 : i32
        %add3A_747 = arith.addi %add3A_421, %add3A_746 : i32
        %jit3A_748 = arith.constant 2 : i32
        %div3A_749 = arith.divsi %add3A_747, %jit3A_748 : i32
        %sign3A_750 = arith.constant 0 : i32
        %sign3A_751 = arith.cmpi sgt, %add3A_747, %sign3A_750 : i32
        %sign3A_752 = arith.extui %sign3A_751 : i1 to i32
        %sign3A_753 = arith.constant 0 : i32
        %sign3A_754 = arith.cmpi slt, %add3A_747, %sign3A_753 : i32
        %sign3A_755 = arith.extui %sign3A_754 : i1 to i32
        %sign3A_756 = arith.subi %sign3A_752, %sign3A_755 : i32
        %sign3A_757 = arith.constant 0 : i32
        %sign3A_758 = arith.cmpi sgt, %jit3A_748, %sign3A_757 : i32
        %sign3A_759 = arith.extui %sign3A_758 : i1 to i32
        %sign3A_760 = arith.constant 0 : i32
        %sign3A_761 = arith.cmpi slt, %jit3A_748, %sign3A_760 : i32
        %sign3A_762 = arith.extui %sign3A_761 : i1 to i32
        %sign3A_763 = arith.subi %sign3A_759, %sign3A_762 : i32
        %ne3A_764 = arith.cmpi ne, %sign3A_756, %sign3A_763 : i32
        %rem3A_765 = arith.remsi %add3A_747, %jit3A_748 : i32
        %ne3A_766 = arith.constant 0 : i32
        %ne3A_767 = arith.cmpi ne, %rem3A_765, %ne3A_766 : i32
        %and3A_768 = arith.andi %ne3A_764, %ne3A_767 : i1
        %sub3A_769 = arith.constant 1 : i32
        %sub3A_770 = arith.subi %div3A_749, %sub3A_769 : i32
        %select_n3A_771 = arith.select %and3A_768, %sub3A_770, %div3A_749 : i32
        %jit3A_772 = arith.constant 2 : i32
        %eq3A_773 = arith.constant 0 : i32
        %eq3A_774 = arith.cmpi eq, %jit3A_772, %eq3A_773 : i32
        %jit3A_775 = arith.constant 1 : i32
        %select_n3A_776 = arith.select %eq3A_774, %jit3A_775, %jit3A_772 : i32
        %rem3A_777 = arith.remsi %add3A_747, %select_n3A_776 : i32
        %ne3A_778 = arith.constant 0 : i32
        %ne3A_779 = arith.cmpi ne, %rem3A_777, %ne3A_778 : i32
        %lt3A_780 = arith.constant 0 : i32
        %lt3A_781 = arith.cmpi slt, %rem3A_777, %lt3A_780 : i32
        %lt3A_782 = arith.constant 0 : i32
        %lt3A_783 = arith.cmpi slt, %select_n3A_776, %lt3A_782 : i32
        %ne3A_784 = arith.xori %lt3A_781, %lt3A_783 : i1
        %and3A_785 = arith.andi %ne3A_784, %ne3A_779 : i1
        %add3A_786 = arith.addi %rem3A_777, %select_n3A_776 : i32
        %select_n3A_787 = arith.select %and3A_785, %add3A_786, %rem3A_777 : i32
        %mul3A_788 = arith.constant 64 : i32
        %mul3A_789 = arith.muli %select_n3A_787, %mul3A_788 : i32
        %dma_start3A_790 = tpu.memref_slice %arg5[%select_n3A_771, %mul3A_789] : memref<50x128xi32, #tpu.memory_space<vmem>> -> memref<1x64xi32, #tpu.memory_space<vmem>>
        %dma_start3A_791 = tpu.memref_squeeze %dma_start3A_790 : memref<1x64xi32, #tpu.memory_space<vmem>> -> memref<64xi32, #tpu.memory_space<vmem>>
        %dma_start3A_792 = arith.constant 0 : i32
        %dma_start3A_793 = arith.constant 0 : i32
        %dma_start3A_794 = tpu.memref_slice %arg2[%dma_start3A_792, %dma_start3A_793] : memref<100000x128xf32, #tpu.memory_space<hbm>> -> memref<100000x128xf32, #tpu.memory_space<hbm>>
        tpu.enqueue_indirect_dma source(%dma_start3A_794 : memref<100000x128xf32, #tpu.memory_space<hbm>>) target(%arg7 : memref<64x128xf32, #tpu.memory_space<vmem>>) offsets(%dma_start3A_791 : memref<64xi32, #tpu.memory_space<vmem>>) semaphore(%arg17 : memref<!tpu.dma_semaphore, #tpu.memory_space<semaphore_mem>>)
      } else {
      }
      %dma_wait3A_429 = arith.constant 0 : i32
      %dma_wait3A_430 = arith.constant 0 : i32
      %dma_wait3A_431 = tpu.memref_slice %arg2[%dma_wait3A_429, %dma_wait3A_430] : memref<100000x128xf32, #tpu.memory_space<hbm>> -> memref<64x128xf32, #tpu.memory_space<hbm>>
      %dma_wait3A_432 = arith.constant 0 : i32
      %dma_wait3A_433 = arith.constant 0 : i32
      %dma_wait3A_434 = tpu.memref_slice %arg2[%dma_wait3A_432, %dma_wait3A_433] : memref<100000x128xf32, #tpu.memory_space<hbm>> -> memref<64x128xf32, #tpu.memory_space<hbm>>
      tpu.wait_dma2 semaphore(%arg21 : memref<!tpu.dma_semaphore, #tpu.memory_space<semaphore_mem>>) src(%dma_wait3A_434 : memref<64x128xf32, #tpu.memory_space<hbm>>) dst(%arg11 : memref<64x128xf32, #tpu.memory_space<vmem>>)
      %jit3A_435 = arith.constant 2 : i32
      %div3A_436 = arith.divsi %add3A_421, %jit3A_435 : i32
      %sign3A_437 = arith.constant 0 : i32
      %sign3A_438 = arith.cmpi sgt, %add3A_421, %sign3A_437 : i32
      %sign3A_439 = arith.extui %sign3A_438 : i1 to i32
      %sign3A_440 = arith.constant 0 : i32
      %sign3A_441 = arith.cmpi slt, %add3A_421, %sign3A_440 : i32
      %sign3A_442 = arith.extui %sign3A_441 : i1 to i32
      %sign3A_443 = arith.subi %sign3A_439, %sign3A_442 : i32
      %sign3A_444 = arith.constant 0 : i32
      %sign3A_445 = arith.cmpi sgt, %jit3A_435, %sign3A_444 : i32
      %sign3A_446 = arith.extui %sign3A_445 : i1 to i32
      %sign3A_447 = arith.constant 0 : i32
      %sign3A_448 = arith.cmpi slt, %jit3A_435, %sign3A_447 : i32
      %sign3A_449 = arith.extui %sign3A_448 : i1 to i32
      %sign3A_450 = arith.subi %sign3A_446, %sign3A_449 : i32
      %ne3A_451 = arith.cmpi ne, %sign3A_443, %sign3A_450 : i32
      %rem3A_452 = arith.remsi %add3A_421, %jit3A_435 : i32
      %ne3A_453 = arith.constant 0 : i32
      %ne3A_454 = arith.cmpi ne, %rem3A_452, %ne3A_453 : i32
      %and3A_455 = arith.andi %ne3A_451, %ne3A_454 : i1
      %sub3A_456 = arith.constant 1 : i32
      %sub3A_457 = arith.subi %div3A_436, %sub3A_456 : i32
      %select_n3A_458 = arith.select %and3A_455, %sub3A_457, %div3A_436 : i32
      %jit3A_459 = arith.constant 2 : i32
      %eq3A_460 = arith.constant 0 : i32
      %eq3A_461 = arith.cmpi eq, %jit3A_459, %eq3A_460 : i32
      %jit3A_462 = arith.constant 1 : i32
      %select_n3A_463 = arith.select %eq3A_461, %jit3A_462, %jit3A_459 : i32
      %rem3A_464 = arith.remsi %add3A_421, %select_n3A_463 : i32
      %ne3A_465 = arith.constant 0 : i32
      %ne3A_466 = arith.cmpi ne, %rem3A_464, %ne3A_465 : i32
      %lt3A_467 = arith.constant 0 : i32
      %lt3A_468 = arith.cmpi slt, %rem3A_464, %lt3A_467 : i32
      %lt3A_469 = arith.constant 0 : i32
      %lt3A_470 = arith.cmpi slt, %select_n3A_463, %lt3A_469 : i32
      %ne3A_471 = arith.xori %lt3A_468, %lt3A_470 : i1
      %and3A_472 = arith.andi %ne3A_471, %ne3A_466 : i1
      %add3A_473 = arith.addi %rem3A_464, %select_n3A_463 : i32
      %select_n3A_474 = arith.select %and3A_472, %add3A_473, %rem3A_464 : i32
      %mul3A_475 = arith.constant 64 : i32
      %mul3A_476 = arith.muli %select_n3A_474, %mul3A_475 : i32
      %add3A_477 = arith.addi %mul3A_2, %mul3A_476 : i32
      %dma_start3A_478 = arith.constant 0 : i32
      %dma_start3A_479 = tpu.memref_slice %arg4[%select_n3A_458, %add3A_477, %dma_start3A_478] : memref<50x4096x128xf32, #tpu.memory_space<hbm>> -> memref<1x64x128xf32, #tpu.memory_space<hbm>>
      %dma_start3A_480 = tpu.memref_squeeze %dma_start3A_479 : memref<1x64x128xf32, #tpu.memory_space<hbm>> -> memref<64x128xf32, #tpu.memory_space<hbm>>
      %dma_start3A_481 = arith.constant 0 : i32
      %dma_start3A_482 = tpu.memref_slice %arg4[%select_n3A_458, %add3A_477, %dma_start3A_481] : memref<50x4096x128xf32, #tpu.memory_space<hbm>> -> memref<1x64x128xf32, #tpu.memory_space<hbm>>
      %dma_start3A_483 = tpu.memref_squeeze %dma_start3A_482 : memref<1x64x128xf32, #tpu.memory_space<hbm>> -> memref<64x128xf32, #tpu.memory_space<hbm>>
      tpu.enqueue_dma source(%arg11 : memref<64x128xf32, #tpu.memory_space<vmem>>) target(%dma_start3A_483 : memref<64x128xf32, #tpu.memory_space<hbm>>) target_semaphore(%arg31 : memref<!tpu.dma_semaphore, #tpu.memory_space<semaphore_mem>>)
      %add3A_484 = arith.constant 6 : i32
      %add3A_485 = arith.addi %add3A_111, %add3A_484 : i32
      %add3A_486 = arith.constant 6 : i32
      %add3A_487 = arith.addi %add3A_485, %add3A_486 : i32
      %lt3A_488 = arith.constant 100 : i32
      %lt3A_489 = arith.cmpi slt, %add3A_487, %lt3A_488 : i32
      %convert_element_type3A_490 = arith.extui %lt3A_489 : i1 to i32
      %cond3A_491 = arith.constant 0 : i32
      %cond3A_492 = arith.cmpi ne, %convert_element_type3A_490, %cond3A_491 : i32
      scf.if %cond3A_492 {
        %add3A_740 = arith.constant 6 : i32
        %add3A_741 = arith.addi %add3A_485, %add3A_740 : i32
        %ge3A = arith.constant 10 : i32
        %ge3A_742 = arith.cmpi sge, %add3A_741, %ge3A : i32
        %convert_element_type3A_743 = arith.extui %ge3A_742 : i1 to i32
        %cond3A_744 = arith.constant 0 : i32
        %cond3A_745 = arith.cmpi ne, %convert_element_type3A_743, %cond3A_744 : i32
        scf.if %cond3A_745 {
          %dma_wait3A_795 = arith.constant 0 : i32
          %dma_wait3A_796 = arith.constant 0 : i32
          %dma_wait3A_797 = tpu.memref_slice %arg2[%dma_wait3A_795, %dma_wait3A_796] : memref<100000x128xf32, #tpu.memory_space<hbm>> -> memref<64x128xf32, #tpu.memory_space<hbm>>
          %dma_wait3A_798 = arith.constant 0 : i32
          %dma_wait3A_799 = arith.constant 0 : i32
          %dma_wait3A_800 = tpu.memref_slice %arg2[%dma_wait3A_798, %dma_wait3A_799] : memref<100000x128xf32, #tpu.memory_space<hbm>> -> memref<64x128xf32, #tpu.memory_space<hbm>>
          tpu.wait_dma2 semaphore(%arg28 : memref<!tpu.dma_semaphore, #tpu.memory_space<semaphore_mem>>) src(%dma_wait3A_800 : memref<64x128xf32, #tpu.memory_space<hbm>>) dst(%arg8 : memref<64x128xf32, #tpu.memory_space<vmem>>)
        } else {
        }
        %add3A_746 = arith.constant 6 : i32
        %add3A_747 = arith.addi %add3A_485, %add3A_746 : i32
        %jit3A_748 = arith.constant 2 : i32
        %div3A_749 = arith.divsi %add3A_747, %jit3A_748 : i32
        %sign3A_750 = arith.constant 0 : i32
        %sign3A_751 = arith.cmpi sgt, %add3A_747, %sign3A_750 : i32
        %sign3A_752 = arith.extui %sign3A_751 : i1 to i32
        %sign3A_753 = arith.constant 0 : i32
        %sign3A_754 = arith.cmpi slt, %add3A_747, %sign3A_753 : i32
        %sign3A_755 = arith.extui %sign3A_754 : i1 to i32
        %sign3A_756 = arith.subi %sign3A_752, %sign3A_755 : i32
        %sign3A_757 = arith.constant 0 : i32
        %sign3A_758 = arith.cmpi sgt, %jit3A_748, %sign3A_757 : i32
        %sign3A_759 = arith.extui %sign3A_758 : i1 to i32
        %sign3A_760 = arith.constant 0 : i32
        %sign3A_761 = arith.cmpi slt, %jit3A_748, %sign3A_760 : i32
        %sign3A_762 = arith.extui %sign3A_761 : i1 to i32
        %sign3A_763 = arith.subi %sign3A_759, %sign3A_762 : i32
        %ne3A_764 = arith.cmpi ne, %sign3A_756, %sign3A_763 : i32
        %rem3A_765 = arith.remsi %add3A_747, %jit3A_748 : i32
        %ne3A_766 = arith.constant 0 : i32
        %ne3A_767 = arith.cmpi ne, %rem3A_765, %ne3A_766 : i32
        %and3A_768 = arith.andi %ne3A_764, %ne3A_767 : i1
        %sub3A_769 = arith.constant 1 : i32
        %sub3A_770 = arith.subi %div3A_749, %sub3A_769 : i32
        %select_n3A_771 = arith.select %and3A_768, %sub3A_770, %div3A_749 : i32
        %jit3A_772 = arith.constant 2 : i32
        %eq3A_773 = arith.constant 0 : i32
        %eq3A_774 = arith.cmpi eq, %jit3A_772, %eq3A_773 : i32
        %jit3A_775 = arith.constant 1 : i32
        %select_n3A_776 = arith.select %eq3A_774, %jit3A_775, %jit3A_772 : i32
        %rem3A_777 = arith.remsi %add3A_747, %select_n3A_776 : i32
        %ne3A_778 = arith.constant 0 : i32
        %ne3A_779 = arith.cmpi ne, %rem3A_777, %ne3A_778 : i32
        %lt3A_780 = arith.constant 0 : i32
        %lt3A_781 = arith.cmpi slt, %rem3A_777, %lt3A_780 : i32
        %lt3A_782 = arith.constant 0 : i32
        %lt3A_783 = arith.cmpi slt, %select_n3A_776, %lt3A_782 : i32
        %ne3A_784 = arith.xori %lt3A_781, %lt3A_783 : i1
        %and3A_785 = arith.andi %ne3A_784, %ne3A_779 : i1
        %add3A_786 = arith.addi %rem3A_777, %select_n3A_776 : i32
        %select_n3A_787 = arith.select %and3A_785, %add3A_786, %rem3A_777 : i32
        %mul3A_788 = arith.constant 64 : i32
        %mul3A_789 = arith.muli %select_n3A_787, %mul3A_788 : i32
        %dma_start3A_790 = tpu.memref_slice %arg5[%select_n3A_771, %mul3A_789] : memref<50x128xi32, #tpu.memory_space<vmem>> -> memref<1x64xi32, #tpu.memory_space<vmem>>
        %dma_start3A_791 = tpu.memref_squeeze %dma_start3A_790 : memref<1x64xi32, #tpu.memory_space<vmem>> -> memref<64xi32, #tpu.memory_space<vmem>>
        %dma_start3A_792 = arith.constant 0 : i32
        %dma_start3A_793 = arith.constant 0 : i32
        %dma_start3A_794 = tpu.memref_slice %arg2[%dma_start3A_792, %dma_start3A_793] : memref<100000x128xf32, #tpu.memory_space<hbm>> -> memref<100000x128xf32, #tpu.memory_space<hbm>>
        tpu.enqueue_indirect_dma source(%dma_start3A_794 : memref<100000x128xf32, #tpu.memory_space<hbm>>) target(%arg8 : memref<64x128xf32, #tpu.memory_space<vmem>>) offsets(%dma_start3A_791 : memref<64xi32, #tpu.memory_space<vmem>>) semaphore(%arg18 : memref<!tpu.dma_semaphore, #tpu.memory_space<semaphore_mem>>)
      } else {
      }
      %dma_wait3A_493 = arith.constant 0 : i32
      %dma_wait3A_494 = arith.constant 0 : i32
      %dma_wait3A_495 = tpu.memref_slice %arg2[%dma_wait3A_493, %dma_wait3A_494] : memref<100000x128xf32, #tpu.memory_space<hbm>> -> memref<64x128xf32, #tpu.memory_space<hbm>>
      %dma_wait3A_496 = arith.constant 0 : i32
      %dma_wait3A_497 = arith.constant 0 : i32
      %dma_wait3A_498 = tpu.memref_slice %arg2[%dma_wait3A_496, %dma_wait3A_497] : memref<100000x128xf32, #tpu.memory_space<hbm>> -> memref<64x128xf32, #tpu.memory_space<hbm>>
      tpu.wait_dma2 semaphore(%arg22 : memref<!tpu.dma_semaphore, #tpu.memory_space<semaphore_mem>>) src(%dma_wait3A_498 : memref<64x128xf32, #tpu.memory_space<hbm>>) dst(%arg12 : memref<64x128xf32, #tpu.memory_space<vmem>>)
      %jit3A_499 = arith.constant 2 : i32
      %div3A_500 = arith.divsi %add3A_485, %jit3A_499 : i32
      %sign3A_501 = arith.constant 0 : i32
      %sign3A_502 = arith.cmpi sgt, %add3A_485, %sign3A_501 : i32
      %sign3A_503 = arith.extui %sign3A_502 : i1 to i32
      %sign3A_504 = arith.constant 0 : i32
      %sign3A_505 = arith.cmpi slt, %add3A_485, %sign3A_504 : i32
      %sign3A_506 = arith.extui %sign3A_505 : i1 to i32
      %sign3A_507 = arith.subi %sign3A_503, %sign3A_506 : i32
      %sign3A_508 = arith.constant 0 : i32
      %sign3A_509 = arith.cmpi sgt, %jit3A_499, %sign3A_508 : i32
      %sign3A_510 = arith.extui %sign3A_509 : i1 to i32
      %sign3A_511 = arith.constant 0 : i32
      %sign3A_512 = arith.cmpi slt, %jit3A_499, %sign3A_511 : i32
      %sign3A_513 = arith.extui %sign3A_512 : i1 to i32
      %sign3A_514 = arith.subi %sign3A_510, %sign3A_513 : i32
      %ne3A_515 = arith.cmpi ne, %sign3A_507, %sign3A_514 : i32
      %rem3A_516 = arith.remsi %add3A_485, %jit3A_499 : i32
      %ne3A_517 = arith.constant 0 : i32
      %ne3A_518 = arith.cmpi ne, %rem3A_516, %ne3A_517 : i32
      %and3A_519 = arith.andi %ne3A_515, %ne3A_518 : i1
      %sub3A_520 = arith.constant 1 : i32
      %sub3A_521 = arith.subi %div3A_500, %sub3A_520 : i32
      %select_n3A_522 = arith.select %and3A_519, %sub3A_521, %div3A_500 : i32
      %jit3A_523 = arith.constant 2 : i32
      %eq3A_524 = arith.constant 0 : i32
      %eq3A_525 = arith.cmpi eq, %jit3A_523, %eq3A_524 : i32
      %jit3A_526 = arith.constant 1 : i32
      %select_n3A_527 = arith.select %eq3A_525, %jit3A_526, %jit3A_523 : i32
      %rem3A_528 = arith.remsi %add3A_485, %select_n3A_527 : i32
      %ne3A_529 = arith.constant 0 : i32
      %ne3A_530 = arith.cmpi ne, %rem3A_528, %ne3A_529 : i32
      %lt3A_531 = arith.constant 0 : i32
      %lt3A_532 = arith.cmpi slt, %rem3A_528, %lt3A_531 : i32
      %lt3A_533 = arith.constant 0 : i32
      %lt3A_534 = arith.cmpi slt, %select_n3A_527, %lt3A_533 : i32
      %ne3A_535 = arith.xori %lt3A_532, %lt3A_534 : i1
      %and3A_536 = arith.andi %ne3A_535, %ne3A_530 : i1
      %add3A_537 = arith.addi %rem3A_528, %select_n3A_527 : i32
      %select_n3A_538 = arith.select %and3A_536, %add3A_537, %rem3A_528 : i32
      %mul3A_539 = arith.constant 64 : i32
      %mul3A_540 = arith.muli %select_n3A_538, %mul3A_539 : i32
      %add3A_541 = arith.addi %mul3A_2, %mul3A_540 : i32
      %dma_start3A_542 = arith.constant 0 : i32
      %dma_start3A_543 = tpu.memref_slice %arg4[%select_n3A_522, %add3A_541, %dma_start3A_542] : memref<50x4096x128xf32, #tpu.memory_space<hbm>> -> memref<1x64x128xf32, #tpu.memory_space<hbm>>
      %dma_start3A_544 = tpu.memref_squeeze %dma_start3A_543 : memref<1x64x128xf32, #tpu.memory_space<hbm>> -> memref<64x128xf32, #tpu.memory_space<hbm>>
      %dma_start3A_545 = arith.constant 0 : i32
      %dma_start3A_546 = tpu.memref_slice %arg4[%select_n3A_522, %add3A_541, %dma_start3A_545] : memref<50x4096x128xf32, #tpu.memory_space<hbm>> -> memref<1x64x128xf32, #tpu.memory_space<hbm>>
      %dma_start3A_547 = tpu.memref_squeeze %dma_start3A_546 : memref<1x64x128xf32, #tpu.memory_space<hbm>> -> memref<64x128xf32, #tpu.memory_space<hbm>>
      tpu.enqueue_dma source(%arg12 : memref<64x128xf32, #tpu.memory_space<vmem>>) target(%dma_start3A_547 : memref<64x128xf32, #tpu.memory_space<hbm>>) target_semaphore(%arg32 : memref<!tpu.dma_semaphore, #tpu.memory_space<semaphore_mem>>)
      %add3A_548 = arith.constant 7 : i32
      %add3A_549 = arith.addi %add3A_111, %add3A_548 : i32
      %add3A_550 = arith.constant 6 : i32
      %add3A_551 = arith.addi %add3A_549, %add3A_550 : i32
      %lt3A_552 = arith.constant 100 : i32
      %lt3A_553 = arith.cmpi slt, %add3A_551, %lt3A_552 : i32
      %convert_element_type3A_554 = arith.extui %lt3A_553 : i1 to i32
      %cond3A_555 = arith.constant 0 : i32
      %cond3A_556 = arith.cmpi ne, %convert_element_type3A_554, %cond3A_555 : i32
      scf.if %cond3A_556 {
        %add3A_740 = arith.constant 6 : i32
        %add3A_741 = arith.addi %add3A_549, %add3A_740 : i32
        %ge3A = arith.constant 10 : i32
        %ge3A_742 = arith.cmpi sge, %add3A_741, %ge3A : i32
        %convert_element_type3A_743 = arith.extui %ge3A_742 : i1 to i32
        %cond3A_744 = arith.constant 0 : i32
        %cond3A_745 = arith.cmpi ne, %convert_element_type3A_743, %cond3A_744 : i32
        scf.if %cond3A_745 {
          %dma_wait3A_795 = arith.constant 0 : i32
          %dma_wait3A_796 = arith.constant 0 : i32
          %dma_wait3A_797 = tpu.memref_slice %arg2[%dma_wait3A_795, %dma_wait3A_796] : memref<100000x128xf32, #tpu.memory_space<hbm>> -> memref<64x128xf32, #tpu.memory_space<hbm>>
          %dma_wait3A_798 = arith.constant 0 : i32
          %dma_wait3A_799 = arith.constant 0 : i32
          %dma_wait3A_800 = tpu.memref_slice %arg2[%dma_wait3A_798, %dma_wait3A_799] : memref<100000x128xf32, #tpu.memory_space<hbm>> -> memref<64x128xf32, #tpu.memory_space<hbm>>
          tpu.wait_dma2 semaphore(%arg29 : memref<!tpu.dma_semaphore, #tpu.memory_space<semaphore_mem>>) src(%dma_wait3A_800 : memref<64x128xf32, #tpu.memory_space<hbm>>) dst(%arg9 : memref<64x128xf32, #tpu.memory_space<vmem>>)
        } else {
        }
        %add3A_746 = arith.constant 6 : i32
        %add3A_747 = arith.addi %add3A_549, %add3A_746 : i32
        %jit3A_748 = arith.constant 2 : i32
        %div3A_749 = arith.divsi %add3A_747, %jit3A_748 : i32
        %sign3A_750 = arith.constant 0 : i32
        %sign3A_751 = arith.cmpi sgt, %add3A_747, %sign3A_750 : i32
        %sign3A_752 = arith.extui %sign3A_751 : i1 to i32
        %sign3A_753 = arith.constant 0 : i32
        %sign3A_754 = arith.cmpi slt, %add3A_747, %sign3A_753 : i32
        %sign3A_755 = arith.extui %sign3A_754 : i1 to i32
        %sign3A_756 = arith.subi %sign3A_752, %sign3A_755 : i32
        %sign3A_757 = arith.constant 0 : i32
        %sign3A_758 = arith.cmpi sgt, %jit3A_748, %sign3A_757 : i32
        %sign3A_759 = arith.extui %sign3A_758 : i1 to i32
        %sign3A_760 = arith.constant 0 : i32
        %sign3A_761 = arith.cmpi slt, %jit3A_748, %sign3A_760 : i32
        %sign3A_762 = arith.extui %sign3A_761 : i1 to i32
        %sign3A_763 = arith.subi %sign3A_759, %sign3A_762 : i32
        %ne3A_764 = arith.cmpi ne, %sign3A_756, %sign3A_763 : i32
        %rem3A_765 = arith.remsi %add3A_747, %jit3A_748 : i32
        %ne3A_766 = arith.constant 0 : i32
        %ne3A_767 = arith.cmpi ne, %rem3A_765, %ne3A_766 : i32
        %and3A_768 = arith.andi %ne3A_764, %ne3A_767 : i1
        %sub3A_769 = arith.constant 1 : i32
        %sub3A_770 = arith.subi %div3A_749, %sub3A_769 : i32
        %select_n3A_771 = arith.select %and3A_768, %sub3A_770, %div3A_749 : i32
        %jit3A_772 = arith.constant 2 : i32
        %eq3A_773 = arith.constant 0 : i32
        %eq3A_774 = arith.cmpi eq, %jit3A_772, %eq3A_773 : i32
        %jit3A_775 = arith.constant 1 : i32
        %select_n3A_776 = arith.select %eq3A_774, %jit3A_775, %jit3A_772 : i32
        %rem3A_777 = arith.remsi %add3A_747, %select_n3A_776 : i32
        %ne3A_778 = arith.constant 0 : i32
        %ne3A_779 = arith.cmpi ne, %rem3A_777, %ne3A_778 : i32
        %lt3A_780 = arith.constant 0 : i32
        %lt3A_781 = arith.cmpi slt, %rem3A_777, %lt3A_780 : i32
        %lt3A_782 = arith.constant 0 : i32
        %lt3A_783 = arith.cmpi slt, %select_n3A_776, %lt3A_782 : i32
        %ne3A_784 = arith.xori %lt3A_781, %lt3A_783 : i1
        %and3A_785 = arith.andi %ne3A_784, %ne3A_779 : i1
        %add3A_786 = arith.addi %rem3A_777, %select_n3A_776 : i32
        %select_n3A_787 = arith.select %and3A_785, %add3A_786, %rem3A_777 : i32
        %mul3A_788 = arith.constant 64 : i32
        %mul3A_789 = arith.muli %select_n3A_787, %mul3A_788 : i32
        %dma_start3A_790 = tpu.memref_slice %arg5[%select_n3A_771, %mul3A_789] : memref<50x128xi32, #tpu.memory_space<vmem>> -> memref<1x64xi32, #tpu.memory_space<vmem>>
        %dma_start3A_791 = tpu.memref_squeeze %dma_start3A_790 : memref<1x64xi32, #tpu.memory_space<vmem>> -> memref<64xi32, #tpu.memory_space<vmem>>
        %dma_start3A_792 = arith.constant 0 : i32
        %dma_start3A_793 = arith.constant 0 : i32
        %dma_start3A_794 = tpu.memref_slice %arg2[%dma_start3A_792, %dma_start3A_793] : memref<100000x128xf32, #tpu.memory_space<hbm>> -> memref<100000x128xf32, #tpu.memory_space<hbm>>
        tpu.enqueue_indirect_dma source(%dma_start3A_794 : memref<100000x128xf32, #tpu.memory_space<hbm>>) target(%arg9 : memref<64x128xf32, #tpu.memory_space<vmem>>) offsets(%dma_start3A_791 : memref<64xi32, #tpu.memory_space<vmem>>) semaphore(%arg19 : memref<!tpu.dma_semaphore, #tpu.memory_space<semaphore_mem>>)
      } else {
      }
      %dma_wait3A_557 = arith.constant 0 : i32
      %dma_wait3A_558 = arith.constant 0 : i32
      %dma_wait3A_559 = tpu.memref_slice %arg2[%dma_wait3A_557, %dma_wait3A_558] : memref<100000x128xf32, #tpu.memory_space<hbm>> -> memref<64x128xf32, #tpu.memory_space<hbm>>
      %dma_wait3A_560 = arith.constant 0 : i32
      %dma_wait3A_561 = arith.constant 0 : i32
      %dma_wait3A_562 = tpu.memref_slice %arg2[%dma_wait3A_560, %dma_wait3A_561] : memref<100000x128xf32, #tpu.memory_space<hbm>> -> memref<64x128xf32, #tpu.memory_space<hbm>>
      tpu.wait_dma2 semaphore(%arg23 : memref<!tpu.dma_semaphore, #tpu.memory_space<semaphore_mem>>) src(%dma_wait3A_562 : memref<64x128xf32, #tpu.memory_space<hbm>>) dst(%arg13 : memref<64x128xf32, #tpu.memory_space<vmem>>)
      %jit3A_563 = arith.constant 2 : i32
      %div3A_564 = arith.divsi %add3A_549, %jit3A_563 : i32
      %sign3A_565 = arith.constant 0 : i32
      %sign3A_566 = arith.cmpi sgt, %add3A_549, %sign3A_565 : i32
      %sign3A_567 = arith.extui %sign3A_566 : i1 to i32
      %sign3A_568 = arith.constant 0 : i32
      %sign3A_569 = arith.cmpi slt, %add3A_549, %sign3A_568 : i32
      %sign3A_570 = arith.extui %sign3A_569 : i1 to i32
      %sign3A_571 = arith.subi %sign3A_567, %sign3A_570 : i32
      %sign3A_572 = arith.constant 0 : i32
      %sign3A_573 = arith.cmpi sgt, %jit3A_563, %sign3A_572 : i32
      %sign3A_574 = arith.extui %sign3A_573 : i1 to i32
      %sign3A_575 = arith.constant 0 : i32
      %sign3A_576 = arith.cmpi slt, %jit3A_563, %sign3A_575 : i32
      %sign3A_577 = arith.extui %sign3A_576 : i1 to i32
      %sign3A_578 = arith.subi %sign3A_574, %sign3A_577 : i32
      %ne3A_579 = arith.cmpi ne, %sign3A_571, %sign3A_578 : i32
      %rem3A_580 = arith.remsi %add3A_549, %jit3A_563 : i32
      %ne3A_581 = arith.constant 0 : i32
      %ne3A_582 = arith.cmpi ne, %rem3A_580, %ne3A_581 : i32
      %and3A_583 = arith.andi %ne3A_579, %ne3A_582 : i1
      %sub3A_584 = arith.constant 1 : i32
      %sub3A_585 = arith.subi %div3A_564, %sub3A_584 : i32
      %select_n3A_586 = arith.select %and3A_583, %sub3A_585, %div3A_564 : i32
      %jit3A_587 = arith.constant 2 : i32
      %eq3A_588 = arith.constant 0 : i32
      %eq3A_589 = arith.cmpi eq, %jit3A_587, %eq3A_588 : i32
      %jit3A_590 = arith.constant 1 : i32
      %select_n3A_591 = arith.select %eq3A_589, %jit3A_590, %jit3A_587 : i32
      %rem3A_592 = arith.remsi %add3A_549, %select_n3A_591 : i32
      %ne3A_593 = arith.constant 0 : i32
      %ne3A_594 = arith.cmpi ne, %rem3A_592, %ne3A_593 : i32
      %lt3A_595 = arith.constant 0 : i32
      %lt3A_596 = arith.cmpi slt, %rem3A_592, %lt3A_595 : i32
      %lt3A_597 = arith.constant 0 : i32
      %lt3A_598 = arith.cmpi slt, %select_n3A_591, %lt3A_597 : i32
      %ne3A_599 = arith.xori %lt3A_596, %lt3A_598 : i1
      %and3A_600 = arith.andi %ne3A_599, %ne3A_594 : i1
      %add3A_601 = arith.addi %rem3A_592, %select_n3A_591 : i32
      %select_n3A_602 = arith.select %and3A_600, %add3A_601, %rem3A_592 : i32
      %mul3A_603 = arith.constant 64 : i32
      %mul3A_604 = arith.muli %select_n3A_602, %mul3A_603 : i32
      %add3A_605 = arith.addi %mul3A_2, %mul3A_604 : i32
      %dma_start3A_606 = arith.constant 0 : i32
      %dma_start3A_607 = tpu.memref_slice %arg4[%select_n3A_586, %add3A_605, %dma_start3A_606] : memref<50x4096x128xf32, #tpu.memory_space<hbm>> -> memref<1x64x128xf32, #tpu.memory_space<hbm>>
      %dma_start3A_608 = tpu.memref_squeeze %dma_start3A_607 : memref<1x64x128xf32, #tpu.memory_space<hbm>> -> memref<64x128xf32, #tpu.memory_space<hbm>>
      %dma_start3A_609 = arith.constant 0 : i32
      %dma_start3A_610 = tpu.memref_slice %arg4[%select_n3A_586, %add3A_605, %dma_start3A_609] : memref<50x4096x128xf32, #tpu.memory_space<hbm>> -> memref<1x64x128xf32, #tpu.memory_space<hbm>>
      %dma_start3A_611 = tpu.memref_squeeze %dma_start3A_610 : memref<1x64x128xf32, #tpu.memory_space<hbm>> -> memref<64x128xf32, #tpu.memory_space<hbm>>
      tpu.enqueue_dma source(%arg13 : memref<64x128xf32, #tpu.memory_space<vmem>>) target(%dma_start3A_611 : memref<64x128xf32, #tpu.memory_space<hbm>>) target_semaphore(%arg33 : memref<!tpu.dma_semaphore, #tpu.memory_space<semaphore_mem>>)
      %add3A_612 = arith.constant 8 : i32
      %add3A_613 = arith.addi %add3A_111, %add3A_612 : i32
      %add3A_614 = arith.constant 6 : i32
      %add3A_615 = arith.addi %add3A_613, %add3A_614 : i32
      %lt3A_616 = arith.constant 100 : i32
      %lt3A_617 = arith.cmpi slt, %add3A_615, %lt3A_616 : i32
      %convert_element_type3A_618 = arith.extui %lt3A_617 : i1 to i32
      %cond3A_619 = arith.constant 0 : i32
      %cond3A_620 = arith.cmpi ne, %convert_element_type3A_618, %cond3A_619 : i32
      scf.if %cond3A_620 {
        %add3A_740 = arith.constant 6 : i32
        %add3A_741 = arith.addi %add3A_613, %add3A_740 : i32
        %ge3A = arith.constant 10 : i32
        %ge3A_742 = arith.cmpi sge, %add3A_741, %ge3A : i32
        %convert_element_type3A_743 = arith.extui %ge3A_742 : i1 to i32
        %cond3A_744 = arith.constant 0 : i32
        %cond3A_745 = arith.cmpi ne, %convert_element_type3A_743, %cond3A_744 : i32
        scf.if %cond3A_745 {
          %dma_wait3A_795 = arith.constant 0 : i32
          %dma_wait3A_796 = arith.constant 0 : i32
          %dma_wait3A_797 = tpu.memref_slice %arg2[%dma_wait3A_795, %dma_wait3A_796] : memref<100000x128xf32, #tpu.memory_space<hbm>> -> memref<64x128xf32, #tpu.memory_space<hbm>>
          %dma_wait3A_798 = arith.constant 0 : i32
          %dma_wait3A_799 = arith.constant 0 : i32
          %dma_wait3A_800 = tpu.memref_slice %arg2[%dma_wait3A_798, %dma_wait3A_799] : memref<100000x128xf32, #tpu.memory_space<hbm>> -> memref<64x128xf32, #tpu.memory_space<hbm>>
          tpu.wait_dma2 semaphore(%arg30 : memref<!tpu.dma_semaphore, #tpu.memory_space<semaphore_mem>>) src(%dma_wait3A_800 : memref<64x128xf32, #tpu.memory_space<hbm>>) dst(%arg10 : memref<64x128xf32, #tpu.memory_space<vmem>>)
        } else {
        }
        %add3A_746 = arith.constant 6 : i32
        %add3A_747 = arith.addi %add3A_613, %add3A_746 : i32
        %jit3A_748 = arith.constant 2 : i32
        %div3A_749 = arith.divsi %add3A_747, %jit3A_748 : i32
        %sign3A_750 = arith.constant 0 : i32
        %sign3A_751 = arith.cmpi sgt, %add3A_747, %sign3A_750 : i32
        %sign3A_752 = arith.extui %sign3A_751 : i1 to i32
        %sign3A_753 = arith.constant 0 : i32
        %sign3A_754 = arith.cmpi slt, %add3A_747, %sign3A_753 : i32
        %sign3A_755 = arith.extui %sign3A_754 : i1 to i32
        %sign3A_756 = arith.subi %sign3A_752, %sign3A_755 : i32
        %sign3A_757 = arith.constant 0 : i32
        %sign3A_758 = arith.cmpi sgt, %jit3A_748, %sign3A_757 : i32
        %sign3A_759 = arith.extui %sign3A_758 : i1 to i32
        %sign3A_760 = arith.constant 0 : i32
        %sign3A_761 = arith.cmpi slt, %jit3A_748, %sign3A_760 : i32
        %sign3A_762 = arith.extui %sign3A_761 : i1 to i32
        %sign3A_763 = arith.subi %sign3A_759, %sign3A_762 : i32
        %ne3A_764 = arith.cmpi ne, %sign3A_756, %sign3A_763 : i32
        %rem3A_765 = arith.remsi %add3A_747, %jit3A_748 : i32
        %ne3A_766 = arith.constant 0 : i32
        %ne3A_767 = arith.cmpi ne, %rem3A_765, %ne3A_766 : i32
        %and3A_768 = arith.andi %ne3A_764, %ne3A_767 : i1
        %sub3A_769 = arith.constant 1 : i32
        %sub3A_770 = arith.subi %div3A_749, %sub3A_769 : i32
        %select_n3A_771 = arith.select %and3A_768, %sub3A_770, %div3A_749 : i32
        %jit3A_772 = arith.constant 2 : i32
        %eq3A_773 = arith.constant 0 : i32
        %eq3A_774 = arith.cmpi eq, %jit3A_772, %eq3A_773 : i32
        %jit3A_775 = arith.constant 1 : i32
        %select_n3A_776 = arith.select %eq3A_774, %jit3A_775, %jit3A_772 : i32
        %rem3A_777 = arith.remsi %add3A_747, %select_n3A_776 : i32
        %ne3A_778 = arith.constant 0 : i32
        %ne3A_779 = arith.cmpi ne, %rem3A_777, %ne3A_778 : i32
        %lt3A_780 = arith.constant 0 : i32
        %lt3A_781 = arith.cmpi slt, %rem3A_777, %lt3A_780 : i32
        %lt3A_782 = arith.constant 0 : i32
        %lt3A_783 = arith.cmpi slt, %select_n3A_776, %lt3A_782 : i32
        %ne3A_784 = arith.xori %lt3A_781, %lt3A_783 : i1
        %and3A_785 = arith.andi %ne3A_784, %ne3A_779 : i1
        %add3A_786 = arith.addi %rem3A_777, %select_n3A_776 : i32
        %select_n3A_787 = arith.select %and3A_785, %add3A_786, %rem3A_777 : i32
        %mul3A_788 = arith.constant 64 : i32
        %mul3A_789 = arith.muli %select_n3A_787, %mul3A_788 : i32
        %dma_start3A_790 = tpu.memref_slice %arg5[%select_n3A_771, %mul3A_789] : memref<50x128xi32, #tpu.memory_space<vmem>> -> memref<1x64xi32, #tpu.memory_space<vmem>>
        %dma_start3A_791 = tpu.memref_squeeze %dma_start3A_790 : memref<1x64xi32, #tpu.memory_space<vmem>> -> memref<64xi32, #tpu.memory_space<vmem>>
        %dma_start3A_792 = arith.constant 0 : i32
        %dma_start3A_793 = arith.constant 0 : i32
        %dma_start3A_794 = tpu.memref_slice %arg2[%dma_start3A_792, %dma_start3A_793] : memref<100000x128xf32, #tpu.memory_space<hbm>> -> memref<100000x128xf32, #tpu.memory_space<hbm>>
        tpu.enqueue_indirect_dma source(%dma_start3A_794 : memref<100000x128xf32, #tpu.memory_space<hbm>>) target(%arg10 : memref<64x128xf32, #tpu.memory_space<vmem>>) offsets(%dma_start3A_791 : memref<64xi32, #tpu.memory_space<vmem>>) semaphore(%arg20 : memref<!tpu.dma_semaphore, #tpu.memory_space<semaphore_mem>>)
      } else {
      }
      %dma_wait3A_621 = arith.constant 0 : i32
      %dma_wait3A_622 = arith.constant 0 : i32
      %dma_wait3A_623 = tpu.memref_slice %arg2[%dma_wait3A_621, %dma_wait3A_622] : memref<100000x128xf32, #tpu.memory_space<hbm>> -> memref<64x128xf32, #tpu.memory_space<hbm>>
      %dma_wait3A_624 = arith.constant 0 : i32
      %dma_wait3A_625 = arith.constant 0 : i32
      %dma_wait3A_626 = tpu.memref_slice %arg2[%dma_wait3A_624, %dma_wait3A_625] : memref<100000x128xf32, #tpu.memory_space<hbm>> -> memref<64x128xf32, #tpu.memory_space<hbm>>
      tpu.wait_dma2 semaphore(%arg24 : memref<!tpu.dma_semaphore, #tpu.memory_space<semaphore_mem>>) src(%dma_wait3A_626 : memref<64x128xf32, #tpu.memory_space<hbm>>) dst(%arg14 : memref<64x128xf32, #tpu.memory_space<vmem>>)
      %jit3A_627 = arith.constant 2 : i32
      %div3A_628 = arith.divsi %add3A_613, %jit3A_627 : i32
      %sign3A_629 = arith.constant 0 : i32
      %sign3A_630 = arith.cmpi sgt, %add3A_613, %sign3A_629 : i32
      %sign3A_631 = arith.extui %sign3A_630 : i1 to i32
      %sign3A_632 = arith.constant 0 : i32
      %sign3A_633 = arith.cmpi slt, %add3A_613, %sign3A_632 : i32
      %sign3A_634 = arith.extui %sign3A_633 : i1 to i32
      %sign3A_635 = arith.subi %sign3A_631, %sign3A_634 : i32
      %sign3A_636 = arith.constant 0 : i32
      %sign3A_637 = arith.cmpi sgt, %jit3A_627, %sign3A_636 : i32
      %sign3A_638 = arith.extui %sign3A_637 : i1 to i32
      %sign3A_639 = arith.constant 0 : i32
      %sign3A_640 = arith.cmpi slt, %jit3A_627, %sign3A_639 : i32
      %sign3A_641 = arith.extui %sign3A_640 : i1 to i32
      %sign3A_642 = arith.subi %sign3A_638, %sign3A_641 : i32
      %ne3A_643 = arith.cmpi ne, %sign3A_635, %sign3A_642 : i32
      %rem3A_644 = arith.remsi %add3A_613, %jit3A_627 : i32
      %ne3A_645 = arith.constant 0 : i32
      %ne3A_646 = arith.cmpi ne, %rem3A_644, %ne3A_645 : i32
      %and3A_647 = arith.andi %ne3A_643, %ne3A_646 : i1
      %sub3A_648 = arith.constant 1 : i32
      %sub3A_649 = arith.subi %div3A_628, %sub3A_648 : i32
      %select_n3A_650 = arith.select %and3A_647, %sub3A_649, %div3A_628 : i32
      %jit3A_651 = arith.constant 2 : i32
      %eq3A_652 = arith.constant 0 : i32
      %eq3A_653 = arith.cmpi eq, %jit3A_651, %eq3A_652 : i32
      %jit3A_654 = arith.constant 1 : i32
      %select_n3A_655 = arith.select %eq3A_653, %jit3A_654, %jit3A_651 : i32
      %rem3A_656 = arith.remsi %add3A_613, %select_n3A_655 : i32
      %ne3A_657 = arith.constant 0 : i32
      %ne3A_658 = arith.cmpi ne, %rem3A_656, %ne3A_657 : i32
      %lt3A_659 = arith.constant 0 : i32
      %lt3A_660 = arith.cmpi slt, %rem3A_656, %lt3A_659 : i32
      %lt3A_661 = arith.constant 0 : i32
      %lt3A_662 = arith.cmpi slt, %select_n3A_655, %lt3A_661 : i32
      %ne3A_663 = arith.xori %lt3A_660, %lt3A_662 : i1
      %and3A_664 = arith.andi %ne3A_663, %ne3A_658 : i1
      %add3A_665 = arith.addi %rem3A_656, %select_n3A_655 : i32
      %select_n3A_666 = arith.select %and3A_664, %add3A_665, %rem3A_656 : i32
      %mul3A_667 = arith.constant 64 : i32
      %mul3A_668 = arith.muli %select_n3A_666, %mul3A_667 : i32
      %add3A_669 = arith.addi %mul3A_2, %mul3A_668 : i32
      %dma_start3A_670 = arith.constant 0 : i32
      %dma_start3A_671 = tpu.memref_slice %arg4[%select_n3A_650, %add3A_669, %dma_start3A_670] : memref<50x4096x128xf32, #tpu.memory_space<hbm>> -> memref<1x64x128xf32, #tpu.memory_space<hbm>>
      %dma_start3A_672 = tpu.memref_squeeze %dma_start3A_671 : memref<1x64x128xf32, #tpu.memory_space<hbm>> -> memref<64x128xf32, #tpu.memory_space<hbm>>
      %dma_start3A_673 = arith.constant 0 : i32
      %dma_start3A_674 = tpu.memref_slice %arg4[%select_n3A_650, %add3A_669, %dma_start3A_673] : memref<50x4096x128xf32, #tpu.memory_space<hbm>> -> memref<1x64x128xf32, #tpu.memory_space<hbm>>
      %dma_start3A_675 = tpu.memref_squeeze %dma_start3A_674 : memref<1x64x128xf32, #tpu.memory_space<hbm>> -> memref<64x128xf32, #tpu.memory_space<hbm>>
      tpu.enqueue_dma source(%arg14 : memref<64x128xf32, #tpu.memory_space<vmem>>) target(%dma_start3A_675 : memref<64x128xf32, #tpu.memory_space<hbm>>) target_semaphore(%arg34 : memref<!tpu.dma_semaphore, #tpu.memory_space<semaphore_mem>>)
      %add3A_676 = arith.constant 9 : i32
      %add3A_677 = arith.addi %add3A_111, %add3A_676 : i32
      %add3A_678 = arith.constant 6 : i32
      %add3A_679 = arith.addi %add3A_677, %add3A_678 : i32
      %lt3A_680 = arith.constant 100 : i32
      %lt3A_681 = arith.cmpi slt, %add3A_679, %lt3A_680 : i32
      %convert_element_type3A_682 = arith.extui %lt3A_681 : i1 to i32
      %cond3A_683 = arith.constant 0 : i32
      %cond3A_684 = arith.cmpi ne, %convert_element_type3A_682, %cond3A_683 : i32
      scf.if %cond3A_684 {
        %add3A_740 = arith.constant 6 : i32
        %add3A_741 = arith.addi %add3A_677, %add3A_740 : i32
        %ge3A = arith.constant 10 : i32
        %ge3A_742 = arith.cmpi sge, %add3A_741, %ge3A : i32
        %convert_element_type3A_743 = arith.extui %ge3A_742 : i1 to i32
        %cond3A_744 = arith.constant 0 : i32
        %cond3A_745 = arith.cmpi ne, %convert_element_type3A_743, %cond3A_744 : i32
        scf.if %cond3A_745 {
          %dma_wait3A_795 = arith.constant 0 : i32
          %dma_wait3A_796 = arith.constant 0 : i32
          %dma_wait3A_797 = tpu.memref_slice %arg2[%dma_wait3A_795, %dma_wait3A_796] : memref<100000x128xf32, #tpu.memory_space<hbm>> -> memref<64x128xf32, #tpu.memory_space<hbm>>
          %dma_wait3A_798 = arith.constant 0 : i32
          %dma_wait3A_799 = arith.constant 0 : i32
          %dma_wait3A_800 = tpu.memref_slice %arg2[%dma_wait3A_798, %dma_wait3A_799] : memref<100000x128xf32, #tpu.memory_space<hbm>> -> memref<64x128xf32, #tpu.memory_space<hbm>>
          tpu.wait_dma2 semaphore(%arg31 : memref<!tpu.dma_semaphore, #tpu.memory_space<semaphore_mem>>) src(%dma_wait3A_800 : memref<64x128xf32, #tpu.memory_space<hbm>>) dst(%arg11 : memref<64x128xf32, #tpu.memory_space<vmem>>)
        } else {
        }
        %add3A_746 = arith.constant 6 : i32
        %add3A_747 = arith.addi %add3A_677, %add3A_746 : i32
        %jit3A_748 = arith.constant 2 : i32
        %div3A_749 = arith.divsi %add3A_747, %jit3A_748 : i32
        %sign3A_750 = arith.constant 0 : i32
        %sign3A_751 = arith.cmpi sgt, %add3A_747, %sign3A_750 : i32
        %sign3A_752 = arith.extui %sign3A_751 : i1 to i32
        %sign3A_753 = arith.constant 0 : i32
        %sign3A_754 = arith.cmpi slt, %add3A_747, %sign3A_753 : i32
        %sign3A_755 = arith.extui %sign3A_754 : i1 to i32
        %sign3A_756 = arith.subi %sign3A_752, %sign3A_755 : i32
        %sign3A_757 = arith.constant 0 : i32
        %sign3A_758 = arith.cmpi sgt, %jit3A_748, %sign3A_757 : i32
        %sign3A_759 = arith.extui %sign3A_758 : i1 to i32
        %sign3A_760 = arith.constant 0 : i32
        %sign3A_761 = arith.cmpi slt, %jit3A_748, %sign3A_760 : i32
        %sign3A_762 = arith.extui %sign3A_761 : i1 to i32
        %sign3A_763 = arith.subi %sign3A_759, %sign3A_762 : i32
        %ne3A_764 = arith.cmpi ne, %sign3A_756, %sign3A_763 : i32
        %rem3A_765 = arith.remsi %add3A_747, %jit3A_748 : i32
        %ne3A_766 = arith.constant 0 : i32
        %ne3A_767 = arith.cmpi ne, %rem3A_765, %ne3A_766 : i32
        %and3A_768 = arith.andi %ne3A_764, %ne3A_767 : i1
        %sub3A_769 = arith.constant 1 : i32
        %sub3A_770 = arith.subi %div3A_749, %sub3A_769 : i32
        %select_n3A_771 = arith.select %and3A_768, %sub3A_770, %div3A_749 : i32
        %jit3A_772 = arith.constant 2 : i32
        %eq3A_773 = arith.constant 0 : i32
        %eq3A_774 = arith.cmpi eq, %jit3A_772, %eq3A_773 : i32
        %jit3A_775 = arith.constant 1 : i32
        %select_n3A_776 = arith.select %eq3A_774, %jit3A_775, %jit3A_772 : i32
        %rem3A_777 = arith.remsi %add3A_747, %select_n3A_776 : i32
        %ne3A_778 = arith.constant 0 : i32
        %ne3A_779 = arith.cmpi ne, %rem3A_777, %ne3A_778 : i32
        %lt3A_780 = arith.constant 0 : i32
        %lt3A_781 = arith.cmpi slt, %rem3A_777, %lt3A_780 : i32
        %lt3A_782 = arith.constant 0 : i32
        %lt3A_783 = arith.cmpi slt, %select_n3A_776, %lt3A_782 : i32
        %ne3A_784 = arith.xori %lt3A_781, %lt3A_783 : i1
        %and3A_785 = arith.andi %ne3A_784, %ne3A_779 : i1
        %add3A_786 = arith.addi %rem3A_777, %select_n3A_776 : i32
        %select_n3A_787 = arith.select %and3A_785, %add3A_786, %rem3A_777 : i32
        %mul3A_788 = arith.constant 64 : i32
        %mul3A_789 = arith.muli %select_n3A_787, %mul3A_788 : i32
        %dma_start3A_790 = tpu.memref_slice %arg5[%select_n3A_771, %mul3A_789] : memref<50x128xi32, #tpu.memory_space<vmem>> -> memref<1x64xi32, #tpu.memory_space<vmem>>
        %dma_start3A_791 = tpu.memref_squeeze %dma_start3A_790 : memref<1x64xi32, #tpu.memory_space<vmem>> -> memref<64xi32, #tpu.memory_space<vmem>>
        %dma_start3A_792 = arith.constant 0 : i32
        %dma_start3A_793 = arith.constant 0 : i32
        %dma_start3A_794 = tpu.memref_slice %arg2[%dma_start3A_792, %dma_start3A_793] : memref<100000x128xf32, #tpu.memory_space<hbm>> -> memref<100000x128xf32, #tpu.memory_space<hbm>>
        tpu.enqueue_indirect_dma source(%dma_start3A_794 : memref<100000x128xf32, #tpu.memory_space<hbm>>) target(%arg11 : memref<64x128xf32, #tpu.memory_space<vmem>>) offsets(%dma_start3A_791 : memref<64xi32, #tpu.memory_space<vmem>>) semaphore(%arg21 : memref<!tpu.dma_semaphore, #tpu.memory_space<semaphore_mem>>)
      } else {
      }
      %dma_wait3A_685 = arith.constant 0 : i32
      %dma_wait3A_686 = arith.constant 0 : i32
      %dma_wait3A_687 = tpu.memref_slice %arg2[%dma_wait3A_685, %dma_wait3A_686] : memref<100000x128xf32, #tpu.memory_space<hbm>> -> memref<64x128xf32, #tpu.memory_space<hbm>>
      %dma_wait3A_688 = arith.constant 0 : i32
      %dma_wait3A_689 = arith.constant 0 : i32
      %dma_wait3A_690 = tpu.memref_slice %arg2[%dma_wait3A_688, %dma_wait3A_689] : memref<100000x128xf32, #tpu.memory_space<hbm>> -> memref<64x128xf32, #tpu.memory_space<hbm>>
      tpu.wait_dma2 semaphore(%arg25 : memref<!tpu.dma_semaphore, #tpu.memory_space<semaphore_mem>>) src(%dma_wait3A_690 : memref<64x128xf32, #tpu.memory_space<hbm>>) dst(%arg15 : memref<64x128xf32, #tpu.memory_space<vmem>>)
      %jit3A_691 = arith.constant 2 : i32
      %div3A_692 = arith.divsi %add3A_677, %jit3A_691 : i32
      %sign3A_693 = arith.constant 0 : i32
      %sign3A_694 = arith.cmpi sgt, %add3A_677, %sign3A_693 : i32
      %sign3A_695 = arith.extui %sign3A_694 : i1 to i32
      %sign3A_696 = arith.constant 0 : i32
      %sign3A_697 = arith.cmpi slt, %add3A_677, %sign3A_696 : i32
      %sign3A_698 = arith.extui %sign3A_697 : i1 to i32
      %sign3A_699 = arith.subi %sign3A_695, %sign3A_698 : i32
      %sign3A_700 = arith.constant 0 : i32
      %sign3A_701 = arith.cmpi sgt, %jit3A_691, %sign3A_700 : i32
      %sign3A_702 = arith.extui %sign3A_701 : i1 to i32
      %sign3A_703 = arith.constant 0 : i32
      %sign3A_704 = arith.cmpi slt, %jit3A_691, %sign3A_703 : i32
      %sign3A_705 = arith.extui %sign3A_704 : i1 to i32
      %sign3A_706 = arith.subi %sign3A_702, %sign3A_705 : i32
      %ne3A_707 = arith.cmpi ne, %sign3A_699, %sign3A_706 : i32
      %rem3A_708 = arith.remsi %add3A_677, %jit3A_691 : i32
      %ne3A_709 = arith.constant 0 : i32
      %ne3A_710 = arith.cmpi ne, %rem3A_708, %ne3A_709 : i32
      %and3A_711 = arith.andi %ne3A_707, %ne3A_710 : i1
      %sub3A_712 = arith.constant 1 : i32
      %sub3A_713 = arith.subi %div3A_692, %sub3A_712 : i32
      %select_n3A_714 = arith.select %and3A_711, %sub3A_713, %div3A_692 : i32
      %jit3A_715 = arith.constant 2 : i32
      %eq3A_716 = arith.constant 0 : i32
      %eq3A_717 = arith.cmpi eq, %jit3A_715, %eq3A_716 : i32
      %jit3A_718 = arith.constant 1 : i32
      %select_n3A_719 = arith.select %eq3A_717, %jit3A_718, %jit3A_715 : i32
      %rem3A_720 = arith.remsi %add3A_677, %select_n3A_719 : i32
      %ne3A_721 = arith.constant 0 : i32
      %ne3A_722 = arith.cmpi ne, %rem3A_720, %ne3A_721 : i32
      %lt3A_723 = arith.constant 0 : i32
      %lt3A_724 = arith.cmpi slt, %rem3A_720, %lt3A_723 : i32
      %lt3A_725 = arith.constant 0 : i32
      %lt3A_726 = arith.cmpi slt, %select_n3A_719, %lt3A_725 : i32
      %ne3A_727 = arith.xori %lt3A_724, %lt3A_726 : i1
      %and3A_728 = arith.andi %ne3A_727, %ne3A_722 : i1
      %add3A_729 = arith.addi %rem3A_720, %select_n3A_719 : i32
      %select_n3A_730 = arith.select %and3A_728, %add3A_729, %rem3A_720 : i32
      %mul3A_731 = arith.constant 64 : i32
      %mul3A_732 = arith.muli %select_n3A_730, %mul3A_731 : i32
      %add3A_733 = arith.addi %mul3A_2, %mul3A_732 : i32
      %dma_start3A_734 = arith.constant 0 : i32
      %dma_start3A_735 = tpu.memref_slice %arg4[%select_n3A_714, %add3A_733, %dma_start3A_734] : memref<50x4096x128xf32, #tpu.memory_space<hbm>> -> memref<1x64x128xf32, #tpu.memory_space<hbm>>
      %dma_start3A_736 = tpu.memref_squeeze %dma_start3A_735 : memref<1x64x128xf32, #tpu.memory_space<hbm>> -> memref<64x128xf32, #tpu.memory_space<hbm>>
      %dma_start3A_737 = arith.constant 0 : i32
      %dma_start3A_738 = tpu.memref_slice %arg4[%select_n3A_714, %add3A_733, %dma_start3A_737] : memref<50x4096x128xf32, #tpu.memory_space<hbm>> -> memref<1x64x128xf32, #tpu.memory_space<hbm>>
      %dma_start3A_739 = tpu.memref_squeeze %dma_start3A_738 : memref<1x64x128xf32, #tpu.memory_space<hbm>> -> memref<64x128xf32, #tpu.memory_space<hbm>>
      tpu.enqueue_dma source(%arg15 : memref<64x128xf32, #tpu.memory_space<vmem>>) target(%dma_start3A_739 : memref<64x128xf32, #tpu.memory_space<hbm>>) target_semaphore(%arg35 : memref<!tpu.dma_semaphore, #tpu.memory_space<semaphore_mem>>)
    }
    %scan3A_47 = arith.constant 10 : i32
    %dma_wait3A = arith.constant 0 : i32
    %dma_wait3A_48 = arith.constant 0 : i32
    %dma_wait3A_49 = tpu.memref_slice %arg2[%dma_wait3A, %dma_wait3A_48] : memref<100000x128xf32, #tpu.memory_space<hbm>> -> memref<64x128xf32, #tpu.memory_space<hbm>>
    %dma_wait3A_50 = arith.constant 0 : i32
    %dma_wait3A_51 = arith.constant 0 : i32
    %dma_wait3A_52 = tpu.memref_slice %arg2[%dma_wait3A_50, %dma_wait3A_51] : memref<100000x128xf32, #tpu.memory_space<hbm>> -> memref<64x128xf32, #tpu.memory_space<hbm>>
    tpu.wait_dma2 semaphore(%arg26 : memref<!tpu.dma_semaphore, #tpu.memory_space<semaphore_mem>>) src(%dma_wait3A_52 : memref<64x128xf32, #tpu.memory_space<hbm>>) dst(%arg6 : memref<64x128xf32, #tpu.memory_space<vmem>>)
    %dma_wait3A_53 = arith.constant 0 : i32
    %dma_wait3A_54 = arith.constant 0 : i32
    %dma_wait3A_55 = tpu.memref_slice %arg2[%dma_wait3A_53, %dma_wait3A_54] : memref<100000x128xf32, #tpu.memory_space<hbm>> -> memref<64x128xf32, #tpu.memory_space<hbm>>
    %dma_wait3A_56 = arith.constant 0 : i32
    %dma_wait3A_57 = arith.constant 0 : i32
    %dma_wait3A_58 = tpu.memref_slice %arg2[%dma_wait3A_56, %dma_wait3A_57] : memref<100000x128xf32, #tpu.memory_space<hbm>> -> memref<64x128xf32, #tpu.memory_space<hbm>>
    tpu.wait_dma2 semaphore(%arg27 : memref<!tpu.dma_semaphore, #tpu.memory_space<semaphore_mem>>) src(%dma_wait3A_58 : memref<64x128xf32, #tpu.memory_space<hbm>>) dst(%arg7 : memref<64x128xf32, #tpu.memory_space<vmem>>)
    %dma_wait3A_59 = arith.constant 0 : i32
    %dma_wait3A_60 = arith.constant 0 : i32
    %dma_wait3A_61 = tpu.memref_slice %arg2[%dma_wait3A_59, %dma_wait3A_60] : memref<100000x128xf32, #tpu.memory_space<hbm>> -> memref<64x128xf32, #tpu.memory_space<hbm>>
    %dma_wait3A_62 = arith.constant 0 : i32
    %dma_wait3A_63 = arith.constant 0 : i32
    %dma_wait3A_64 = tpu.memref_slice %arg2[%dma_wait3A_62, %dma_wait3A_63] : memref<100000x128xf32, #tpu.memory_space<hbm>> -> memref<64x128xf32, #tpu.memory_space<hbm>>
    tpu.wait_dma2 semaphore(%arg28 : memref<!tpu.dma_semaphore, #tpu.memory_space<semaphore_mem>>) src(%dma_wait3A_64 : memref<64x128xf32, #tpu.memory_space<hbm>>) dst(%arg8 : memref<64x128xf32, #tpu.memory_space<vmem>>)
    %dma_wait3A_65 = arith.constant 0 : i32
    %dma_wait3A_66 = arith.constant 0 : i32
    %dma_wait3A_67 = tpu.memref_slice %arg2[%dma_wait3A_65, %dma_wait3A_66] : memref<100000x128xf32, #tpu.memory_space<hbm>> -> memref<64x128xf32, #tpu.memory_space<hbm>>
    %dma_wait3A_68 = arith.constant 0 : i32
    %dma_wait3A_69 = arith.constant 0 : i32
    %dma_wait3A_70 = tpu.memref_slice %arg2[%dma_wait3A_68, %dma_wait3A_69] : memref<100000x128xf32, #tpu.memory_space<hbm>> -> memref<64x128xf32, #tpu.memory_space<hbm>>
    tpu.wait_dma2 semaphore(%arg29 : memref<!tpu.dma_semaphore, #tpu.memory_space<semaphore_mem>>) src(%dma_wait3A_70 : memref<64x128xf32, #tpu.memory_space<hbm>>) dst(%arg9 : memref<64x128xf32, #tpu.memory_space<vmem>>)
    %dma_wait3A_71 = arith.constant 0 : i32
    %dma_wait3A_72 = arith.constant 0 : i32
    %dma_wait3A_73 = tpu.memref_slice %arg2[%dma_wait3A_71, %dma_wait3A_72] : memref<100000x128xf32, #tpu.memory_space<hbm>> -> memref<64x128xf32, #tpu.memory_space<hbm>>
    %dma_wait3A_74 = arith.constant 0 : i32
    %dma_wait3A_75 = arith.constant 0 : i32
    %dma_wait3A_76 = tpu.memref_slice %arg2[%dma_wait3A_74, %dma_wait3A_75] : memref<100000x128xf32, #tpu.memory_space<hbm>> -> memref<64x128xf32, #tpu.memory_space<hbm>>
    tpu.wait_dma2 semaphore(%arg30 : memref<!tpu.dma_semaphore, #tpu.memory_space<semaphore_mem>>) src(%dma_wait3A_76 : memref<64x128xf32, #tpu.memory_space<hbm>>) dst(%arg10 : memref<64x128xf32, #tpu.memory_space<vmem>>)
    %dma_wait3A_77 = arith.constant 0 : i32
    %dma_wait3A_78 = arith.constant 0 : i32
    %dma_wait3A_79 = tpu.memref_slice %arg2[%dma_wait3A_77, %dma_wait3A_78] : memref<100000x128xf32, #tpu.memory_space<hbm>> -> memref<64x128xf32, #tpu.memory_space<hbm>>
    %dma_wait3A_80 = arith.constant 0 : i32
    %dma_wait3A_81 = arith.constant 0 : i32
    %dma_wait3A_82 = tpu.memref_slice %arg2[%dma_wait3A_80, %dma_wait3A_81] : memref<100000x128xf32, #tpu.memory_space<hbm>> -> memref<64x128xf32, #tpu.memory_space<hbm>>
    tpu.wait_dma2 semaphore(%arg31 : memref<!tpu.dma_semaphore, #tpu.memory_space<semaphore_mem>>) src(%dma_wait3A_82 : memref<64x128xf32, #tpu.memory_space<hbm>>) dst(%arg11 : memref<64x128xf32, #tpu.memory_space<vmem>>)
    %dma_wait3A_83 = arith.constant 0 : i32
    %dma_wait3A_84 = arith.constant 0 : i32
    %dma_wait3A_85 = tpu.memref_slice %arg2[%dma_wait3A_83, %dma_wait3A_84] : memref<100000x128xf32, #tpu.memory_space<hbm>> -> memref<64x128xf32, #tpu.memory_space<hbm>>
    %dma_wait3A_86 = arith.constant 0 : i32
    %dma_wait3A_87 = arith.constant 0 : i32
    %dma_wait3A_88 = tpu.memref_slice %arg2[%dma_wait3A_86, %dma_wait3A_87] : memref<100000x128xf32, #tpu.memory_space<hbm>> -> memref<64x128xf32, #tpu.memory_space<hbm>>
    tpu.wait_dma2 semaphore(%arg32 : memref<!tpu.dma_semaphore, #tpu.memory_space<semaphore_mem>>) src(%dma_wait3A_88 : memref<64x128xf32, #tpu.memory_space<hbm>>) dst(%arg12 : memref<64x128xf32, #tpu.memory_space<vmem>>)
    %dma_wait3A_89 = arith.constant 0 : i32
    %dma_wait3A_90 = arith.constant 0 : i32
    %dma_wait3A_91 = tpu.memref_slice %arg2[%dma_wait3A_89, %dma_wait3A_90] : memref<100000x128xf32, #tpu.memory_space<hbm>> -> memref<64x128xf32, #tpu.memory_space<hbm>>
    %dma_wait3A_92 = arith.constant 0 : i32
    %dma_wait3A_93 = arith.constant 0 : i32
    %dma_wait3A_94 = tpu.memref_slice %arg2[%dma_wait3A_92, %dma_wait3A_93] : memref<100000x128xf32, #tpu.memory_space<hbm>> -> memref<64x128xf32, #tpu.memory_space<hbm>>
    tpu.wait_dma2 semaphore(%arg33 : memref<!tpu.dma_semaphore, #tpu.memory_space<semaphore_mem>>) src(%dma_wait3A_94 : memref<64x128xf32, #tpu.memory_space<hbm>>) dst(%arg13 : memref<64x128xf32, #tpu.memory_space<vmem>>)
    %dma_wait3A_95 = arith.constant 0 : i32
    %dma_wait3A_96 = arith.constant 0 : i32
    %dma_wait3A_97 = tpu.memref_slice %arg2[%dma_wait3A_95, %dma_wait3A_96] : memref<100000x128xf32, #tpu.memory_space<hbm>> -> memref<64x128xf32, #tpu.memory_space<hbm>>
    %dma_wait3A_98 = arith.constant 0 : i32
    %dma_wait3A_99 = arith.constant 0 : i32
    %dma_wait3A_100 = tpu.memref_slice %arg2[%dma_wait3A_98, %dma_wait3A_99] : memref<100000x128xf32, #tpu.memory_space<hbm>> -> memref<64x128xf32, #tpu.memory_space<hbm>>
    tpu.wait_dma2 semaphore(%arg34 : memref<!tpu.dma_semaphore, #tpu.memory_space<semaphore_mem>>) src(%dma_wait3A_100 : memref<64x128xf32, #tpu.memory_space<hbm>>) dst(%arg14 : memref<64x128xf32, #tpu.memory_space<vmem>>)
    %dma_wait3A_101 = arith.constant 0 : i32
    %dma_wait3A_102 = arith.constant 0 : i32
    %dma_wait3A_103 = tpu.memref_slice %arg2[%dma_wait3A_101, %dma_wait3A_102] : memref<100000x128xf32, #tpu.memory_space<hbm>> -> memref<64x128xf32, #tpu.memory_space<hbm>>
    %dma_wait3A_104 = arith.constant 0 : i32
    %dma_wait3A_105 = arith.constant 0 : i32
    %dma_wait3A_106 = tpu.memref_slice %arg2[%dma_wait3A_104, %dma_wait3A_105] : memref<100000x128xf32, #tpu.memory_space<hbm>> -> memref<64x128xf32, #tpu.memory_space<hbm>>
    tpu.wait_dma2 semaphore(%arg35 : memref<!tpu.dma_semaphore, #tpu.memory_space<semaphore_mem>>) src(%dma_wait3A_106 : memref<64x128xf32, #tpu.memory_space<hbm>>) dst(%arg15 : memref<64x128xf32, #tpu.memory_space<vmem>>)
    return
  }
}

</mosaic_0001>

<sc_bundles>
// kernel: kernel.3.cloned.1.call-start
scs
__scs_entry_jumppad:
0x0: {  	(pc) =	sbr.rel $0x88, $3  }
0x1: {  	(tag) =	ssettag $0x0;
	lr =	simm.s32 $0x1  }
0x2: {  	[smem:$0x3F9F] =	sst lr;
	_ =	strace $0xD0000000  }
0x3: {  	_ = 	snop  }
0x4: {  	_ = 	snop  }
0x5: {  	_ = 	snop  }
0x6: {  	_ = 	snop  }
0x7: {  	_ = 	snop  }
__scs_overlays_trampoline_lowered:
0x8: {  	[smem:$0x3FAE] =	sst s0  }
0x9: {  	[smem:$0x3FAF] =	sst s1  }
0xa: {  	[smem:$0x3FB0] =	sst s2  }
0xb: {  	[smem:$0x3FB1] =	sst s3  }
0xc: {  	[smem:$0x3FB2] =	sst s4  }
0xd: {  	[smem:$0x3FB3] =	sst s5  }
0xe: {  	[smem:$0x3FB4] =	sst s6  }
0xf: {  	[smem:$0x3FB5] =	sst s7  }
0x10: {  	[smem:$0x3FB6] =	sst s8  }
0x11: {  	[smem:$0x3FB7] =	sst s9;
	s0 =	simm.s32 @!p0 $0x0  }
0x12: {  	s1 =	sld [smem:$0x3F9D];
	s0 =	simm.s32 @p0 $0x1  }
0x13: {  	[smem:$0x3FB8] =	sst s0;
	s0 =	simm.s32 @!p1 $0x0  }
0x14: {  	s2 =	sld [smem:$0x3F9C];
	s0 =	simm.s32 @p1 $0x1  }
0x15: {  	[smem:$0x3FB9] =	sst s0;
	s0 =	simm.s32 @!p2 $0x0  }
0x16: {  	s3 =	sld [smem:$0x3FDB];
	s0 =	simm.s32 @p2 $0x1  }
0x17: {  	s4 =	simm.s32 $0x1BF5;
	[smem:$0x3FBB] =	sst s0  }
0x18: {  	s0 =	sld [smem:$0x3F9E];
	_ =	swait.ge [sflag:s4], $0x0  }
0x19: {  	s7 =	sld [smem:$0x3F9F]  }
0x1a: {  	s8 =	sadd.s32 $0xFFFFE003, lr  }
0x1b: {  	s9 =	sadd.s32 $0xFFFFFEF7, lr;
	s5 =	simm.s32 $0xFFFFFFFF;
	p2 =	slt.u32 s8, $0xFFFFF086  }
0x1c: {  	p1 =	slt.u32 s9, $0xF7A;
	s5 =	simm.s32 @!p2 $0x0  }
0x1d: {  	s5 =	simm.s32 @p1 $0x1;
	p0 =	seq.s32 s7, s2  }
0x1e: {  	s7 =	smul.u32 @!p0 $0xF7A, s2;
	p2 =	seq.s32 @!p0 s5, $0x0  }
0x1f: {  	s9 =	smul.u32 $0xF7A, s1;
	s8 =	simm.s32 @!p0 $0x1BF5;
	p2 =	por !p2, p0  }
0x20: {  	[sflag:s8] =	ssyncset.s32 @!p0 $0xFFFFF086;
	s6 =	sadd.s32 @!p0 s3, s7;
	s7 =	simm.s32 @!p0 $0x108  }
0x21: {  	s3 =	sadd.s32 s3, s9;
	s6 =	sadd.s32 @!p0 $0x88, s6;
	s7 =	simm.s32 @p2 $0x1082  }
0x22: {  	[simem:s7], [sflag:s8] =	dma.local @!p0 [hbm:s6], $0xF7A  }
0x23: {  	s9 =	sor.u32 $0xD0000000, s2;
	s6 =	simm.s32 $0x108;
	_ =	swait.ge @!p0 [sflag:s8], $0x0  }
0x24: {  	s3 =	sadd.s32 $0x88, s3;
	s6 =	simm.s32 @!p1 $0x1082;
	[sflag:s4] =	ssyncset.s32 $0xFFFFF086  }
0x25: {  	[simem:s6], [sflag:s4] =	dma.local [hbm:s3], $0xF7A  }
0x26: {  	[smem:$0x3F9F] =	sst s1;
	(tag) =	ssettag s2;
	_ =	strace s9  }
0x27: {  	s1 =	sld [smem:$0x3FAF]  }
0x28: {  	s2 =	sld [smem:$0x3FB0]  }
0x29: {  	s4 =	sld [smem:$0x3FB2]  }
0x2a: {  	p0 =	seq.s32 s5, $0x0;
	s5 =	sld [smem:$0x3FB3]  }
0x2b: {  	s6 =	sld [smem:$0x3FB4]  }
0x2c: {  	s7 =	sld [smem:$0x3FB5]  }
0x2d: {  	s3 =	simm.s32 $0x108;
	s8 =	sld [smem:$0x3FB6]  }
0x2e: {  	s3 =	simm.s32 @!p0 $0x1082;
	s9 =	sld [smem:$0x3FB7]  }
0x2f: {  	lr =	sadd.s32 s0, s3;
	s0 =	sld [smem:$0x3FAE]  }
0x30: {  	s3 =	sld [smem:$0x3FB1]  }
0x31: {  	[smem:$0x3FBA] =	sst s10  }
0x32: {  	s10 =	sld [smem:$0x3FB8];
	_ =	sdelay $0x3  }
0x33: {  	p0 =	seq.s32 s10, $0x1;
	s10 =	sld [smem:$0x3FBA];
	_ =	sdelay $0x3  }
0x34: {  	[smem:$0x3FBA] =	sst s10  }
0x35: {  	s10 =	sld [smem:$0x3FB9];
	_ =	sdelay $0x3  }
0x36: {  	p1 =	seq.s32 s10, $0x1;
	s10 =	sld [smem:$0x3FBA];
	_ =	sdelay $0x3  }
0x37: {  	[smem:$0x3FBA] =	sst s10  }
0x38: {  	s10 =	sld [smem:$0x3FBB]  }
0x39: {  	_ = 	snop;
	(pc) =	sbr.ind lr, $3  }
0x3a: {  	_ = 	snop  }
0x3b: {  	_ = 	snop  }
0x3c: {  	p2 =	seq.s32 s10, $0x1;
	s10 =	sld [smem:$0x3FBA]  }
0x3d: {  	_ =	shalt  }
0x3e: {  	_ =	shalt  }
0x3f: {  	_ =	shalt  }
0x40: {  	_ =	shalt  }
0x41: {  	_ =	shalt  }
0x42: {  	_ =	shalt  }
0x43: {  	_ =	shalt  }
0x44: {  	_ =	shalt  }
0x45: {  	_ =	shalt  }
0x46: {  	_ =	shalt  }
0x47: {  	_ =	shalt  }
0x48: {  	_ =	shalt  }
0x49: {  	_ =	shalt  }
0x4a: {  	_ =	shalt  }
0x4b: {  	_ =	shalt  }
0x4c: {  	_ =	shalt  }
0x4d: {  	_ =	shalt  }
0x4e: {  	_ =	shalt  }
0x4f: {  	_ =	shalt  }
0x50: {  	_ =	shalt  }
0x51: {  	_ =	shalt  }
0x52: {  	_ =	shalt  }
0x53: {  	_ =	shalt  }
0x54: {  	_ =	shalt  }
0x55: {  	_ =	shalt  }
0x56: {  	_ =	shalt  }
0x57: {  	_ =	shalt  }
0x58: {  	_ =	shalt  }
0x59: {  	_ =	shalt  }
0x5a: {  	_ =	shalt  }
0x5b: {  	_ =	shalt  }
0x5c: {  	_ =	shalt  }
0x5d: {  	_ =	shalt  }
0x5e: {  	_ =	shalt  }
0x5f: {  	_ =	shalt  }
0x60: {  	_ =	shalt  }
0x61: {  	_ =	shalt  }
0x62: {  	_ =	shalt  }
0x63: {  	_ =	shalt  }
0x64: {  	_ =	shalt  }
0x65: {  	_ =	shalt  }
0x66: {  	_ =	shalt  }
0x67: {  	_ =	shalt  }
0x68: {  	_ =	shalt  }
0x69: {  	_ =	shalt  }
0x6a: {  	_ =	shalt  }
0x6b: {  	_ =	shalt  }
0x6c: {  	_ =	shalt  }
0x6d: {  	_ =	shalt  }
0x6e: {  	_ =	shalt  }
0x6f: {  	_ =	shalt  }
0x70: {  	_ =	shalt  }
0x71: {  	_ =	shalt  }
0x72: {  	_ =	shalt  }
0x73: {  	_ =	shalt  }
0x74: {  	_ =	shalt  }
0x75: {  	_ =	shalt  }
0x76: {  	_ =	shalt  }
0x77: {  	_ =	shalt  }
0x78: {  	_ =	shalt  }
0x79: {  	_ =	shalt  }
0x7a: {  	_ =	shalt  }
0x7b: {  	_ =	shalt  }
0x7c: {  	_ =	shalt  }
0x7d: {  	_ =	shalt  }
0x7e: {  	_ =	shalt  }
0x7f: {  	_ =	shalt  }
0x80: {  	_ =	shalt  }
0x81: {  	_ =	shalt  }
0x82: {  	_ =	shalt  }
0x83: {  	_ =	shalt  }
0x84: {  	_ =	shalt  }
0x85: {  	_ =	shalt  }
0x86: {  	_ =	shalt  }
0x87: {  	_ =	shalt  }
.Lfunc_end0:
.L_simem_size_0:
called_computation_lowered:
.L_overlay_start_0:
0x88: {  	s2 =	sld [smem:$0x3FD9]  }
0x89: {  	s3 =	sld [smem:$0x3FFE];
	_ =	sdelay $0x1  }
0x8a: {  	s1 =	srdreg.scid  }
0x8b: {  	s0 =	sand.u32 $0x1, s1  }
0x8c: {  	s17 =	sshll.u32 s0, $0xA;
	s2 =	sadd.s32 s3, s2  }
0x8d: {  	s2 =	sadd.s32 s2, s17  }
0x8e: {  	[smem:$0x3FC6] =	sst s2  }
0x8f: {  	_ = 	snop  }
0x90: {  	s2 =	sld [smem:$0x3FC8]  }
0x91: {  	s18 =	sld [smem:$0x3FD0];
	(tm) =	ssettm $0x1  }
0x92: {  	s4 =	sld [smem:$0x3FFB];
	_ =	sdelay $0x3  }
0x93: {  	_ =	strace s4  }
0x94: {  	s4 =	sld [smem:$0x3FFC];
	_ =	sdelay $0x3  }
0x95: {  	_ =	strace s4  }
0x96: {  	s4 =	sld [smem:$0x3FFD];
	_ =	sdelay $0x3  }
0x97: {  	_ =	strace s4  }
0x98: {  	_ =	strace $0x8FFFFFFF  }
0x99: {  	s19 =	sld [smem:$0x3FDB];
	_ =	sdelay $0x1  }
0x9a: {  	s5 =	simm.s32 $_scs_section_size  }
0x9b: {  	s6 =	simm.s32 $_size__tile_overlayer_lowered;
	s7 =	simm.s32 $_tile_overlayer_lowered  }
0x9c: {  	s22 =	simm.s32 $0x1BFF;
	s21 =	sshll.u32 s7, $0x1;
	s4 =	sadd.s32 s5, s19  }
0x9d: {  	s8 =	simm.s32 $0x0;
	s20 =	sshll.u32 s6, $0x1;
	s6 =	sadd.s32 s21, s4  }
0x9e: {  	[timem:s8], [sflag:s22] =	dma.local [hbm:s6], s20  }
0x9f: {  	_ =	swait.ge [sflag:s22], s20  }
0xa0: {  	s5 =	ssub.s32 $0x0, s20;
	[sflag:s22] =	ssyncset.done $0x0  }
0xa1: {  	[sflag:s22] =	ssyncadd.s32 s5;
	_ =	sdelay $0x1  }
0xa2: {  	s23 =	simm.s32 $0x1B8B  }
0xa3: {  	_ =	swait.ge [sflag:s23], $0x1  }
0xa4: {  	[sflag:s23] =	ssyncset.done $0x0  }
0xa5: {  	s25 =	simm.s32 $0x1B8E;
	s24 =	sld [smem:$0x3FFE];
	[sflag:s23] =	ssyncadd.s32 $0xFFFFFFFF  }
0xa6: {  	s26 =	simm.s32 $execute0_lowered;
	[smem:$0x3FD2] =	sst s25  }
0xa7: {  	s6 =	sshll.u32 s26, $0x1;
	_ =	strace $0x80000046;
	[dreg:$0x1] =	wrdreg $0xFFFFFFFF  }
0xa8: {  	s28 =	simm.s32 $_size_execute0_lowered;
	s4 =	sadd.s32 s4, s6;
	[dreg:$0x0] =	wrdreg $0x0  }
0xa9: {  	s6 =	sshll.u32 s28, $0x1;
	[dreg:$0x2] =	wrdreg s4  }
0xaa: {  	[dreg:$0x3] =	wrdreg s6  }
0xab: {  	[dreg:$0x4] =	wrdreg $0xC0  }
0xac: {  	_ =	task [dreg:s8], $0x5FFFF  }
0xad: {  	[dreg:$0x1] =	wrdreg $0xFFFFFFFF  }
0xae: {  	[dreg:$0x0] =	wrdreg $0x60  }
0xaf: {  	[dreg:$0x2] =	wrdreg s2  }
0xb0: {  	[dreg:$0x3] =	wrdreg s24  }
0xb1: {  	[dreg:$0x4] =	wrdreg s18  }
0xb2: {  	[dreg:$0x5] =	wrdreg $0x9  }
0xb3: {  	_ =	task.clear_ibuf [dreg:s8], $0x6FFFF;
	_ =	strace $0x90000046  }
0xb4: {  	s29 =	simm.s32 $0x9;
	_ =	strace $0x80000048  }
0xb5: {  	_ =	swait.ge [sflag:s29], $0x1  }
0xb6: {  	[sflag:s29] =	ssyncadd.s32 $0xFFFFFFFF  }
0xb7: {  	_ =	strace $0x90000048  }
0xb8: {  	_ =	sfence  }
0xb9: {  	s30 =	sld [smem:$0x0];
	_ =	sdelay $0x2  }
0xba: {  	s31 =	sshll.u32 s1, $0xD;
	s1 =	sshrl.u32 s1, $0x2  }
0xbb: {  	s3 =	sand.u32 $0x4000, s31;
	s1 =	sadd.s32 s1, s30  }
0xbc: {  	s0 =	sor.u32 s3, s0;
	s1 =	sshll.u32 s1, $0x11  }
0xbd: {  	s0 =	sor.u32 s1, s0  }
0xbe: {  	s0 =	sadd.s32 $0x8F2B, s0  }
0xbf: {  	[sflag:s0] =	ssyncadd.remote.s32 $0x1  }
0xc0: {  	_ =	sfence.sel $0xFFFF  }
0xc1: {  	[dreg:$0x0] =	wrdreg $0xFFFFFFFF;
	(pc) =	sbr.abs _section_cstart, $3  }
0xc2: {  	[dreg:$0x1] =	wrdreg $0xFFFFFFFF  }
0xc3: {  	_ =	task.clear_ibuf [dreg:s8], $0x2FFFF;
	_ =	strace $0x9FFFFFFF  }
0xc4: {  	(tm) =	ssettm $0x7FFFFFFF  }
0xc5: {  	_ =	shalt  }
tec
execute0_lowered:
.L_overlay_start_1:
0x0: {  	(tag) =	ssettag $0x1  }
0x1: {  	s1 =	rddreg [dreg:$0x0]  }
0x2: {  	s0 =	rddreg [dreg:$0x1]  }
0x3: {  	s9 =	rddreg [dreg:$0x2];
	s2 =	srdreg.scid  }
0x4: {  	s8 =	stileid.u32;
	s4 =	simm.s32 $0x0;
	s25 =	simm.s32 $0xFC00  }
0x5: {  	s26 =	simm.s32 $0x11C00;
	s28 =	simm.s32 $0x4;
	s29 =	simm.s32 $0x5  }
0x6: {  	s30 =	simm.s32 $0x7;
	s31 =	simm.s32 $0xA;
	s2 =	sand.u32 $0x1, s2  }
0x7: {  	s3 =	sshll.u32 s8, $0x1;
	[smem:$0x7FF] =	sst s4;
	s10 =	sshll.u32 s8, $0xF  }
0x8: {  	s24 =	sshll.u32 s8, $0xC;
	s3 =	sor.u32 s2, s3;
	s5 =	ssub.s32 $0x2, s2  }
0x9: {  	_ =	strace $0x80000047;
	s11 =	sshll.u32 s2, $0xE;
	[dreg:$0xb] =	wrdreg s25  }
0xa: {  	s2 =	sshll.u32 s2, $0xB;
	[dreg:$0xc] =	wrdreg s26;
	s25 =	simm.s32 $0x3  }
0xb: {  	s26 =	simm.s32 $0x13C00;
	s6 =	sshll.u32 s3, $0x4;
	s7 =	sshrl.u32 s5, $0x1  }
0xc: {  	s3 =	sshll.u32 s3, $0xB;
	s8 =	sor.u32 s2, s24;
	s24 =	simm.s32 $0x2  }
0xd: {  	s0 =	sadd.s32 s6, s0;
	s5 =	ssub.s32 s5, s7;
	s3 =	sadd.s32 s3, s9  }
0xe: {  	s6 =	sor.u32 s11, s10;
	s0 =	sadd.s32 $0x400, s0;
	s12 =	sadd.s32 $0x310000, s3  }
0xf: {  	s13 =	sadd.s32 $0x300400, s3;
	s14 =	sor.u32 $0x100000, s6;
	[dreg:$0xd] =	wrdreg s0  }
0x10: {  	s16 =	sor.u32 $0x82000, s6;
	s18 =	sor.u32 $0x80000, s6;
	[dreg:$0x4] =	wrdreg s12  }
0x11: {  	s20 =	sor.u32 $0x2000, s6;
	s22 =	smax.u32 s5, $0x1;
	[dreg:$0x5] =	wrdreg s13  }
0x12: {  	s7 =	sor.u32 $0x102000, s6;
	s23 =	sshrl.u32 s6, $0x3;
	[dreg:$0xe] =	wrdreg s22  }
0x13: {  	s3 =	simm.s32 $0x0;
	s15 =	sshrl.u32 s14, $0x3;
	[dreg:$0xa] =	wrdreg s23  }
0x14: {  	s17 =	sshrl.u32 s16, $0x3;
	s19 =	sshrl.u32 s18, $0x3;
	[dreg:$0x6] =	wrdreg s15  }
0x15: {  	s21 =	sshrl.u32 s20, $0x3;
	s7 =	sshrl.u32 s7, $0x3;
	[dreg:$0x7] =	wrdreg s17  }
0x16: {  	s12 =	simm.s32 $0x40;
	s22 =	simm.s32 $0xDC00;
	[dreg:$0x8] =	wrdreg s19  }
0x17: {  	s23 =	simm.s32 $0x1;
	[dreg:$0x9] =	wrdreg s21;
	s19 =	simm.s32 $0x1C00  }
.LBB2_1:
0x18: {  	[dreg:$0xf] =	wrdreg s3  }
0x19: {  	s0 =	rddreg [dreg:$0xd]  }
0x1a: {  	s2 =	simm.s32 $0x80;
	s18 =	simm.s32 $0x1000;
	s20 =	simm.s32 $0x15  }
0x1b: {  	[tilespmem:s4], [sflag:$0x15] =	stream.strided.gather [hbm4b:s0+s2], $0x1900, s18, s2, $0x38;
	[tilespmem:$0x15C00] =	vst v63  }
0x1c: {  	_ =	swait.ge [sflag:s20], $0x1900  }
0x1d: {  	[sflag:s20] =	ssyncset.done $0x0  }
0x1e: {  	s21 =	simm.s32 $0x1C00;
	[sflag:s20] =	ssyncadd.s32 $0xFFFFE700  }
0x1f: {  	[tilespmem:s21], [sflag:$0x1] =	stream.indirect.gather [hbm4b:s1+s12], $0x80, s4, s12, $0xb8;
	[tilespmem:$0x15C00] =	vst v63  }
0x20: {  	s5 =	simm.s32 $0x3C00  }
0x21: {  	[tilespmem:s5], [sflag:$0x2] =	stream.indirect.gather [hbm4b:s1+s12], $0x80, s12, s12, $0xb8;
	[tilespmem:$0x15C00] =	vst v63  }
0x22: {  	s6 =	simm.s32 $0x5C00  }
0x23: {  	[tilespmem:s6], [sflag:$0x3] =	stream.indirect.gather [hbm4b:s1+s12], $0x80, s2, s12, $0xb8;
	[tilespmem:$0x15C00] =	vst v63  }
0x24: {  	s13 =	simm.s32 $0xC0;
	s9 =	simm.s32 $0x7C00  }
0x25: {  	[tilespmem:s9], [sflag:$0x4] =	stream.indirect.gather [hbm4b:s1+s12], $0x80, s13, s12, $0xb8;
	[tilespmem:$0x15C00] =	vst v63  }
0x26: {  	s14 =	simm.s32 $0x100;
	s10 =	simm.s32 $0x9C00;
	p0 =	por $0x1, $0x1  }
0x27: {  	[tilespmem:s10], [sflag:$0x5] =	stream.indirect.gather [hbm4b:s1+s12], $0x80, s14, s12, $0xb8;
	[tilespmem:$0x15C00] =	vst v63  }
0x28: {  	s15 =	simm.s32 $0x140;
	s16 =	simm.s32 $0xBC00;
	s0 =	simm.s32 @!p0 $0x11  }
0x29: {  	[tilespmem:s16], [sflag:$0x6] =	stream.indirect.gather [hbm4b:s1+s12], $0x80, s15, s12, $0xb8;
	[tilespmem:$0x15C00] =	vst v63  }
0x2a: {  	_ =	swait.ge @!p0 [sflag:s0], $0x2000  }
0x2b: {  	[sflag:s0] =	ssyncset.done @!p0 $0x0  }
0x2c: {  	s17 =	simm.s32 $0x180;
	[sflag:s0] =	ssyncadd.s32 @!p0 $0xFFFFE000  }
0x2d: {  	[tilespmem:s22], [sflag:$0x7] =	stream.indirect.gather [hbm4b:s1+s12], $0x80, s17, s12, $0xb8;
	[tilespmem:$0x15C00] =	vst v63  }
0x2e: {  	_ =	swait.ge [sflag:s23], $0x2000  }
0x2f: {  	[sflag:s23] =	ssyncset.done $0x0  }
0x30: {  	s18 =	rddreg [dreg:$0xa];
	[sflag:s23] =	ssyncadd.s32 $0xFFFFE000  }
0x31: {  	s11 =	rddreg [dreg:$0x2]  }
0x32: {  	s2 =	simm.s32 @!p0 $0x12;
	s0 =	sadd.s32 s11, s18  }
0x33: {  	[hbm4b:s0+s4] =	stream.linear.scatter [tilespmem:s21], [sflag:$0xB], $0x2000, $0x38;
	[tilespmem:$0x15C00] =	vst v63  }
0x34: {  	_ =	swait.ge @!p0 [sflag:s2], $0x2000  }
0x35: {  	[sflag:s2] =	ssyncset.done @!p0 $0x0  }
0x36: {  	s21 =	simm.s32 $0x1C0;
	s20 =	rddreg [dreg:$0xb];
	[sflag:s2] =	ssyncadd.s32 @!p0 $0xFFFFE000  }
0x37: {  	[tilespmem:s20], [sflag:$0x8] =	stream.indirect.gather [hbm4b:s1+s12], $0x80, s21, s12, $0xb8;
	[tilespmem:$0x15C00] =	vst v63  }
0x38: {  	_ =	swait.ge [sflag:s24], $0x2000  }
0x39: {  	s3 =	rddreg [dreg:$0x9];
	[sflag:s24] =	ssyncset.done $0x0  }
0x3a: {  	s2 =	simm.s32 @!p0 $0x13;
	[sflag:s24] =	ssyncadd.s32 $0xFFFFE000;
	s0 =	sadd.s32 s11, s3  }
0x3b: {  	[hbm4b:s0+s4] =	stream.linear.scatter [tilespmem:s5], [sflag:$0xC], $0x2000, $0x38;
	[tilespmem:$0x15C00] =	vst v63  }
0x3c: {  	_ =	swait.ge @!p0 [sflag:s2], $0x2000  }
0x3d: {  	[sflag:s2] =	ssyncset.done @!p0 $0x0  }
0x3e: {  	s14 =	simm.s32 $0x200;
	s13 =	rddreg [dreg:$0xc];
	[sflag:s2] =	ssyncadd.s32 @!p0 $0xFFFFE000  }
0x3f: {  	[tilespmem:s13], [sflag:$0x9] =	stream.indirect.gather [hbm4b:s1+s12], $0x80, s14, s12, $0xb8;
	[tilespmem:$0x15C00] =	vst v63  }
0x40: {  	_ =	swait.ge [sflag:s25], $0x2000  }
0x41: {  	s15 =	rddreg [dreg:$0x8];
	[sflag:s25] =	ssyncset.done $0x0  }
0x42: {  	s2 =	simm.s32 @!p0 $0x14;
	[sflag:s25] =	ssyncadd.s32 $0xFFFFE000;
	s0 =	sadd.s32 s11, s15  }
0x43: {  	[hbm4b:s0+s4] =	stream.linear.scatter [tilespmem:s6], [sflag:$0xD], $0x2000, $0x38;
	[tilespmem:$0x15C00] =	vst v63  }
0x44: {  	_ =	swait.ge @!p0 [sflag:s2], $0x2000  }
0x45: {  	[sflag:s2] =	ssyncset.done @!p0 $0x0  }
0x46: {  	s16 =	simm.s32 $0x240;
	[sflag:s2] =	ssyncadd.s32 @!p0 $0xFFFFE000  }
0x47: {  	[tilespmem:s26], [sflag:$0xA] =	stream.indirect.gather [hbm4b:s1+s12], $0x80, s16, s12, $0xb8;
	[tilespmem:$0x15C00] =	vst v63  }
0x48: {  	_ =	swait.ge [sflag:s28], $0x2000  }
0x49: {  	p0 =	por $0x0, $0x0;
	s17 =	rddreg [dreg:$0x7];
	[sflag:s28] =	ssyncset.done $0x0  }
0x4a: {  	s2 =	simm.s32 @!p0 $0xB;
	[sflag:s28] =	ssyncadd.s32 $0xFFFFE000;
	s0 =	sadd.s32 s11, s17  }
0x4b: {  	[hbm4b:s0+s4] =	stream.linear.scatter [tilespmem:s9], [sflag:$0xE], $0x2000, $0x38;
	[tilespmem:$0x15C00] =	vst v63  }
0x4c: {  	_ =	swait.ge @!p0 [sflag:s2], $0x2000  }
0x4d: {  	s3 =	simm.s32 @!p0 $0x280;
	[sflag:s2] =	ssyncset.done @!p0 $0x0  }
0x4e: {  	s5 =	simm.s32 @!p0 $0x1C00;
	s0 =	simm.s32 @!p0 $0x40;
	[sflag:s2] =	ssyncadd.s32 @!p0 $0xFFFFE000  }
0x4f: {  	[tilespmem:s5], [sflag:$0x1] =	stream.indirect.gather @!p0 [hbm4b:s1+s0], $0x80, s3, s0, $0xb8;
	[tilespmem:$0x15C00] =	vst v63  }
0x50: {  	_ =	swait.ge [sflag:s29], $0x2000  }
0x51: {  	s18 =	rddreg [dreg:$0x6];
	[sflag:s29] =	ssyncset.done $0x0  }
0x52: {  	s3 =	simm.s32 @p0 $0x6;
	[sflag:s29] =	ssyncadd.s32 $0xFFFFE000;
	s2 =	sadd.s32 s11, s18  }
0x53: {  	[hbm4b:s2+s4] =	stream.linear.scatter [tilespmem:s10], [sflag:$0xF], $0x2000, $0x38;
	[tilespmem:$0x15C00] =	vst v63  }
0x54: {  	_ =	swait.ge @p0 [sflag:s3], $0x2000  }
0x55: {  	s6 =	simm.s32 @p0 $0x0;
	s5 =	sadd.s32 @p0 s11, s7;
	[sflag:s3] =	ssyncset.done @p0 $0x0  }
0x56: {  	s2 =	simm.s32 @p0 $0xBC00;
	[sflag:s3] =	ssyncadd.s32 @p0 $0xFFFFE000;
	s3 =	simm.s32 @!p0 $0xC  }
0x57: {  	[hbm4b:s5+s6] =	stream.linear.scatter @p0 [tilespmem:s2], [sflag:$0x10], $0x2000, $0x38;
	[tilespmem:$0x15C00] =	vst v63  }
0x58: {  	_ =	swait.ge @!p0 [sflag:s3], $0x2000  }
0x59: {  	s2 =	simm.s32 @!p0 $0x2C0;
	[sflag:s3] =	ssyncset.done @!p0 $0x0  }
0x5a: {  	s5 =	simm.s32 @!p0 $0x3C00;
	[sflag:s3] =	ssyncadd.s32 @!p0 $0xFFFFE000;
	s3 =	simm.s32 @!p0 $0x6  }
0x5b: {  	[tilespmem:s5], [sflag:$0x2] =	stream.indirect.gather @!p0 [hbm4b:s1+s0], $0x80, s2, s0, $0xb8;
	[tilespmem:$0x15C00] =	vst v63  }
0x5c: {  	_ =	swait.ge @!p0 [sflag:s3], $0x2000  }
0x5d: {  	s9 =	simm.s32 @!p0 $0x0;
	s2 =	simm.s32 @!p0 $0xBC00;
	[sflag:s3] =	ssyncset.done @!p0 $0x0  }
0x5e: {  	s5 =	sadd.s32 @!p0 s11, s7;
	[sflag:s3] =	ssyncadd.s32 @!p0 $0xFFFFE000;
	s3 =	simm.s32 @!p0 $0xD  }
0x5f: {  	[hbm4b:s5+s9] =	stream.linear.scatter @!p0 [tilespmem:s2], [sflag:$0x10], $0x2000, $0x38;
	[tilespmem:$0x15C00] =	vst v63  }
0x60: {  	_ =	swait.ge @!p0 [sflag:s3], $0x2000  }
0x61: {  	[sflag:s3] =	ssyncset.done @!p0 $0x0  }
0x62: {  	s10 =	simm.s32 @!p0 $0x5C00;
	s5 =	simm.s32 @!p0 $0x300;
	[sflag:s3] =	ssyncadd.s32 @!p0 $0xFFFFE000  }
0x63: {  	[tilespmem:s10], [sflag:$0x3] =	stream.indirect.gather @!p0 [hbm4b:s1+s0], $0x80, s5, s0, $0xb8;
	[tilespmem:$0x15C00] =	vst v63  }
0x64: {  	_ =	swait.ge [sflag:s30], $0x2000  }
0x65: {  	s20 =	sadd.s32 s11, s8;
	[sflag:s30] =	ssyncset.done $0x0  }
0x66: {  	s21 =	sadd.s32 $0x30000, s20;
	s10 =	simm.s32 @p0 $0x8;
	[sflag:s30] =	ssyncadd.s32 $0xFFFFE000  }
0x67: {  	[hbm4b:s21+s4] =	stream.linear.scatter [tilespmem:s22], [sflag:$0x11], $0x2000, $0x38;
	[tilespmem:$0x15C00] =	vst v63  }
0x68: {  	_ =	swait.ge @p0 [sflag:s10], $0x2000  }
0x69: {  	[sflag:s10] =	ssyncset.done @p0 $0x0  }
0x6a: {  	s5 =	rddreg [dreg:$0x5];
	[sflag:s10] =	ssyncadd.s32 @p0 $0xFFFFE000;
	s10 =	simm.s32 @p0 $0xFC00  }
0x6b: {  	[hbm4b:s5+s6] =	stream.linear.scatter @p0 [tilespmem:s10], [sflag:$0x12], $0x2000, $0x38;
	[tilespmem:$0x15C00] =	vst v63  }
0x6c: {  	s5 =	simm.s32 @p0 $0x9  }
0x6d: {  	_ =	swait.ge @p0 [sflag:s5], $0x2000  }
0x6e: {  	[sflag:s5] =	ssyncset.done @p0 $0x0  }
0x6f: {  	s10 =	rddreg [dreg:$0x4];
	[sflag:s5] =	ssyncadd.s32 @p0 $0xFFFFE000;
	s5 =	simm.s32 @p0 $0x11C00  }
0x70: {  	[hbm4b:s10+s6] =	stream.linear.scatter @p0 [tilespmem:s5], [sflag:$0x13], $0x2000, $0x38;
	[tilespmem:$0x15C00] =	vst v63  }
0x71: {  	s5 =	simm.s32 @!p0 $0xE  }
0x72: {  	_ =	swait.ge @!p0 [sflag:s5], $0x2000  }
0x73: {  	s6 =	simm.s32 @!p0 $0x340;
	[sflag:s5] =	ssyncset.done @!p0 $0x0  }
0x74: {  	s10 =	simm.s32 @!p0 $0x7C00;
	[sflag:s5] =	ssyncadd.s32 @!p0 $0xFFFFE000;
	s5 =	simm.s32 @!p0 $0x8  }
0x75: {  	[tilespmem:s10], [sflag:$0x4] =	stream.indirect.gather @!p0 [hbm4b:s1+s0], $0x80, s6, s0, $0xb8;
	[tilespmem:$0x15C00] =	vst v63  }
0x76: {  	_ =	swait.ge @!p0 [sflag:s5], $0x2000  }
0x77: {  	s6 =	sadd.s32 @!p0 s11, s8;
	[sflag:s5] =	ssyncset.done @!p0 $0x0  }
0x78: {  	s10 =	sadd.s32 @!p0 $0x30400, s6;
	[sflag:s5] =	ssyncadd.s32 @!p0 $0xFFFFE000;
	s5 =	simm.s32 @!p0 $0xFC00  }
0x79: {  	[hbm4b:s10+s9] =	stream.linear.scatter @!p0 [tilespmem:s5], [sflag:$0x12], $0x2000, $0x38;
	[tilespmem:$0x15C00] =	vst v63  }
0x7a: {  	s5 =	simm.s32 @!p0 $0xF  }
0x7b: {  	_ =	swait.ge @!p0 [sflag:s5], $0x2000  }
0x7c: {  	[sflag:s5] =	ssyncset.done @!p0 $0x0  }
0x7d: {  	s10 =	simm.s32 @!p0 $0x380;
	[sflag:s5] =	ssyncadd.s32 @!p0 $0xFFFFE000;
	s5 =	simm.s32 @!p0 $0x9C00  }
0x7e: {  	[tilespmem:s5], [sflag:$0x5] =	stream.indirect.gather @!p0 [hbm4b:s1+s0], $0x80, s10, s0, $0xb8;
	[tilespmem:$0x15C00] =	vst v63  }
0x7f: {  	s5 =	simm.s32 @!p0 $0x9  }
0x80: {  	_ =	swait.ge @!p0 [sflag:s5], $0x2000  }
0x81: {  	[sflag:s5] =	ssyncset.done @!p0 $0x0  }
0x82: {  	s6 =	sadd.s32 @!p0 $0x40000, s6;
	[sflag:s5] =	ssyncadd.s32 @!p0 $0xFFFFE000;
	s5 =	simm.s32 @!p0 $0x11C00  }
0x83: {  	[hbm4b:s6+s9] =	stream.linear.scatter @!p0 [tilespmem:s5], [sflag:$0x13], $0x2000, $0x38;
	[tilespmem:$0x15C00] =	vst v63  }
0x84: {  	s5 =	simm.s32 @!p0 $0x10  }
0x85: {  	_ =	swait.ge @!p0 [sflag:s5], $0x2000  }
0x86: {  	p1 =	por $0x0, $0x0;
	s3 =	sadd.s32 $0x40400, s20;
	[sflag:s5] =	ssyncset.done @!p0 $0x0  }
0x87: {  	s10 =	simm.s32 $0x1400;
	[sflag:s5] =	ssyncadd.s32 @!p0 $0xFFFFE000;
	s5 =	simm.s32 @!p0 $0x3C0  }
0x88: {  	[tilespmem:s2], [sflag:$0x6] =	stream.indirect.gather @!p0 [hbm4b:s1+s0], $0x80, s5, s0, $0xb8;
	[tilespmem:$0x15C00] =	vst v63  }
0x89: {  	s2 =	simm.s32 $0xA00;
	s0 =	sadd.s32 $0x50000, s11;
	_ =	swait.ge [sflag:s31], $0x2000  }
.LBB2_2:
0x8a: {  	[sflag:s31] =	ssyncset.done $0x0  }
0x8b: {  	s5 =	simm.s32 @!p1 $0x11;
	[sflag:s31] =	ssyncadd.s32 $0xFFFFE000  }
0x8c: {  	[hbm4b:s3+s4] =	stream.linear.scatter [tilespmem:s26], [sflag:$0x14], $0x2000, $0x38;
	[tilespmem:$0x15C00] =	vst v63  }
0x8d: {  	_ =	swait.ge @!p1 [sflag:s5], $0x2000  }
0x8e: {  	s18 =	sshra.s32 s2, $0x2;
	[sflag:s5] =	ssyncset.done @!p1 $0x0  }
0x8f: {  	s6 =	sadd.s32 $0x180, s18;
	[sflag:s5] =	ssyncadd.s32 @!p1 $0xFFFFE000  }
0x90: {  	[tilespmem:s22], [sflag:$0x7] =	stream.indirect.gather [hbm4b:s1+s12], $0x80, s6, s12, $0xb8;
	[tilespmem:$0x15C00] =	vst v63  }
0x91: {  	_ =	swait.ge [sflag:s23], $0x2000  }
0x92: {  	s20 =	rddreg [dreg:$0xa];
	[sflag:s23] =	ssyncset.done $0x0  }
0x93: {  	s6 =	simm.s32 @!p1 $0x12;
	[sflag:s23] =	ssyncadd.s32 $0xFFFFE000;
	s5 =	sadd.s32 s0, s20  }
0x94: {  	[hbm4b:s5+s4] =	stream.linear.scatter [tilespmem:s19], [sflag:$0xB], $0x2000, $0x38;
	[tilespmem:$0x15C00] =	vst v63  }
0x95: {  	_ =	swait.ge @!p1 [sflag:s6], $0x2000  }
0x96: {  	[sflag:s6] =	ssyncset.done @!p1 $0x0  }
0x97: {  	s11 =	sadd.s32 $0x1C0, s18;
	s9 =	rddreg [dreg:$0xb];
	[sflag:s6] =	ssyncadd.s32 @!p1 $0xFFFFE000  }
0x98: {  	[tilespmem:s9], [sflag:$0x8] =	stream.indirect.gather [hbm4b:s1+s12], $0x80, s11, s12, $0xb8;
	[tilespmem:$0x15C00] =	vst v63  }
0x99: {  	_ =	swait.ge [sflag:s24], $0x2000  }
0x9a: {  	s6 =	simm.s32 @!p1 $0x13;
	s13 =	rddreg [dreg:$0x9];
	[sflag:s24] =	ssyncset.done $0x0  }
0x9b: {  	s9 =	simm.s32 $0x3C00;
	[sflag:s24] =	ssyncadd.s32 $0xFFFFE000;
	s5 =	sadd.s32 s0, s13  }
0x9c: {  	[hbm4b:s5+s4] =	stream.linear.scatter [tilespmem:s9], [sflag:$0xC], $0x2000, $0x38;
	[tilespmem:$0x15C00] =	vst v63  }
0x9d: {  	_ =	swait.ge @!p1 [sflag:s6], $0x2000  }
0x9e: {  	[sflag:s6] =	ssyncset.done @!p1 $0x0  }
0x9f: {  	s15 =	sadd.s32 $0x200, s18;
	s14 =	rddreg [dreg:$0xc];
	[sflag:s6] =	ssyncadd.s32 @!p1 $0xFFFFE000  }
0xa0: {  	[tilespmem:s14], [sflag:$0x9] =	stream.indirect.gather [hbm4b:s1+s12], $0x80, s15, s12, $0xb8;
	[tilespmem:$0x15C00] =	vst v63  }
0xa1: {  	_ =	swait.ge [sflag:s25], $0x2000  }
0xa2: {  	s17 =	simm.s32 $0x5C00;
	s16 =	rddreg [dreg:$0x8];
	[sflag:s25] =	ssyncset.done $0x0  }
0xa3: {  	s6 =	simm.s32 @!p1 $0x14;
	[sflag:s25] =	ssyncadd.s32 $0xFFFFE000;
	s5 =	sadd.s32 s0, s16  }
0xa4: {  	[hbm4b:s5+s4] =	stream.linear.scatter [tilespmem:s17], [sflag:$0xD], $0x2000, $0x38;
	[tilespmem:$0x15C00] =	vst v63  }
0xa5: {  	_ =	swait.ge @!p1 [sflag:s6], $0x2000  }
0xa6: {  	s21 =	smov.u32 s10;
	s3 =	sadd.s32 $0x240, s18;
	[sflag:s6] =	ssyncset.done @!p1 $0x0  }
0xa7: {  	s20 =	simm.s32 $0x7C00;
	[sflag:s6] =	ssyncadd.s32 @!p1 $0xFFFFE000;
	p1 =	seq.s32 s2, $0x5A00  }
0xa8: {  	[tilespmem:s26], [sflag:$0xA] =	stream.indirect.gather [hbm4b:s1+s12], $0x80, s3, s12, $0xb8;
	[tilespmem:$0x15C00] =	vst v63  }
0xa9: {  	s15 =	simm.s32 $0x9C00;
	s5 =	simm.s32 @!p1 $0xB;
	_ =	swait.ge [sflag:s28], $0x2000  }
0xaa: {  	s2 =	sshra.s32 @!p1 s2, $0x2;
	s18 =	rddreg [dreg:$0x7];
	[sflag:s28] =	ssyncset.done $0x0  }
0xab: {  	s16 =	simm.s32 @!p1 $0x40;
	[sflag:s28] =	ssyncadd.s32 $0xFFFFE000;
	s3 =	sadd.s32 s0, s18  }
0xac: {  	[hbm4b:s3+s4] =	stream.linear.scatter [tilespmem:s20], [sflag:$0xE], $0x2000, $0x38;
	[tilespmem:$0x15C00] =	vst v63  }
0xad: {  	s13 =	simm.s32 @!p1 $0x1C00;
	s9 =	sadd.s32 @!p1 $0x280, s2;
	_ =	swait.ge @!p1 [sflag:s5], $0x2000  }
0xae: {  	s11 =	sadd.s32 @!p1 $0x2C0, s2;
	s6 =	sadd.s32 @!p1 $0x340, s2;
	[sflag:s5] =	ssyncset.done @!p1 $0x0  }
0xaf: {  	s18 =	sadd.s32 @!p1 $0x3C0, s2;
	s3 =	sadd.s32 @!p1 $0x300, s2;
	[sflag:s5] =	ssyncadd.s32 @!p1 $0xFFFFE000  }
0xb0: {  	[tilespmem:s13], [sflag:$0x1] =	stream.indirect.gather @!p1 [hbm4b:s1+s16], $0x80, s9, s16, $0xb8;
	[tilespmem:$0x15C00] =	vst v63  }
0xb1: {  	s5 =	sadd.s32 @!p1 $0x380, s2;
	s2 =	smov.u32 s21;
	_ =	swait.ge [sflag:s29], $0x2000  }
0xb2: {  	s13 =	sadd.s32 @!p1 s0, s8;
	s14 =	rddreg [dreg:$0x6];
	[sflag:s29] =	ssyncset.done $0x0  }
0xb3: {  	[sflag:s29] =	ssyncadd.s32 $0xFFFFE000;
	s21 =	sadd.s32 s0, s14;
	s14 =	simm.s32 @p1 $0x6  }
0xb4: {  	[hbm4b:s21+s4] =	stream.linear.scatter [tilespmem:s15], [sflag:$0xF], $0x2000, $0x38;
	[tilespmem:$0x15C00] =	vst v63  }
0xb5: {  	s9 =	sadd.s32 @!p1 $0x30400, s13;
	s20 =	sadd.s32 @!p1 $0x40000, s13;
	_ =	swait.ge @p1 [sflag:s14], $0x2000  }
0xb6: {  	s13 =	simm.s32 @p1 $0x0;
	s21 =	simm.s32 @p1 $0xBC00;
	[sflag:s14] =	ssyncset.done @p1 $0x0  }
0xb7: {  	s15 =	sadd.s32 @p1 s0, s7;
	[sflag:s14] =	ssyncadd.s32 @p1 $0xFFFFE000;
	s14 =	simm.s32 @!p1 $0xC  }
0xb8: {  	[hbm4b:s15+s13] =	stream.linear.scatter @p1 [tilespmem:s21], [sflag:$0x10], $0x2000, $0x38;
	[tilespmem:$0x15C00] =	vst v63  }
0xb9: {  	_ =	swait.ge @!p1 [sflag:s14], $0x2000  }
0xba: {  	[sflag:s14] =	ssyncset.done @!p1 $0x0  }
0xbb: {  	s15 =	simm.s32 @!p1 $0x3C00;
	[sflag:s14] =	ssyncadd.s32 @!p1 $0xFFFFE000;
	s14 =	simm.s32 @!p1 $0x6  }
0xbc: {  	[tilespmem:s15], [sflag:$0x2] =	stream.indirect.gather @!p1 [hbm4b:s1+s16], $0x80, s11, s16, $0xb8;
	[tilespmem:$0x15C00] =	vst v63  }
0xbd: {  	_ =	swait.ge @!p1 [sflag:s14], $0x2000  }
0xbe: {  	s21 =	simm.s32 @!p1 $0xBC00;
	s15 =	sadd.s32 @!p1 s0, s7;
	[sflag:s14] =	ssyncset.done @!p1 $0x0  }
0xbf: {  	s11 =	simm.s32 @!p1 $0x0;
	[sflag:s14] =	ssyncadd.s32 @!p1 $0xFFFFE000;
	s14 =	simm.s32 @!p1 $0xD  }
0xc0: {  	[hbm4b:s15+s11] =	stream.linear.scatter @!p1 [tilespmem:s21], [sflag:$0x10], $0x2000, $0x38;
	[tilespmem:$0x15C00] =	vst v63  }
0xc1: {  	_ =	swait.ge @!p1 [sflag:s14], $0x2000  }
0xc2: {  	[sflag:s14] =	ssyncset.done @!p1 $0x0  }
0xc3: {  	s15 =	simm.s32 @!p1 $0x5C00;
	[sflag:s14] =	ssyncadd.s32 @!p1 $0xFFFFE000  }
0xc4: {  	[tilespmem:s15], [sflag:$0x3] =	stream.indirect.gather @!p1 [hbm4b:s1+s16], $0x80, s3, s16, $0xb8;
	[tilespmem:$0x15C00] =	vst v63  }
0xc5: {  	s15 =	sadd.s32 s0, s8;
	_ =	swait.ge [sflag:s30], $0x2000  }
0xc6: {  	s17 =	sadd.s32 $0x30000, s15;
	[sflag:s30] =	ssyncset.done $0x0  }
0xc7: {  	s3 =	sadd.s32 $0x40400, s15;
	s15 =	simm.s32 @p1 $0x8;
	[sflag:s30] =	ssyncadd.s32 $0xFFFFE000  }
0xc8: {  	[hbm4b:s17+s4] =	stream.linear.scatter [tilespmem:s22], [sflag:$0x11], $0x2000, $0x38;
	[tilespmem:$0x15C00] =	vst v63  }
0xc9: {  	_ =	swait.ge @p1 [sflag:s15], $0x2000  }
0xca: {  	s17 =	simm.s32 @p1 $0x9;
	[sflag:s15] =	ssyncset.done @p1 $0x0  }
0xcb: {  	s14 =	rddreg [dreg:$0x5];
	[sflag:s15] =	ssyncadd.s32 @p1 $0xFFFFE000;
	s15 =	simm.s32 @p1 $0xFC00  }
0xcc: {  	[hbm4b:s14+s13] =	stream.linear.scatter @p1 [tilespmem:s15], [sflag:$0x12], $0x2000, $0x38;
	[tilespmem:$0x15C00] =	vst v63  }
0xcd: {  	_ =	swait.ge @p1 [sflag:s17], $0x2000  }
0xce: {  	s15 =	simm.s32 @p1 $0x11C00;
	[sflag:s17] =	ssyncset.done @p1 $0x0  }
0xcf: {  	s14 =	rddreg [dreg:$0x4];
	[sflag:s17] =	ssyncadd.s32 @p1 $0xFFFFE000;
	s17 =	simm.s32 @!p1 $0xE  }
0xd0: {  	[hbm4b:s14+s13] =	stream.linear.scatter @p1 [tilespmem:s15], [sflag:$0x13], $0x2000, $0x38;
	[tilespmem:$0x15C00] =	vst v63  }
0xd1: {  	_ =	swait.ge @!p1 [sflag:s17], $0x2000  }
0xd2: {  	[sflag:s17] =	ssyncset.done @!p1 $0x0  }
0xd3: {  	s13 =	simm.s32 @!p1 $0x7C00;
	s14 =	simm.s32 @!p1 $0x8;
	[sflag:s17] =	ssyncadd.s32 @!p1 $0xFFFFE000  }
0xd4: {  	[tilespmem:s13], [sflag:$0x4] =	stream.indirect.gather @!p1 [hbm4b:s1+s16], $0x80, s6, s16, $0xb8;
	[tilespmem:$0x15C00] =	vst v63  }
0xd5: {  	_ =	swait.ge @!p1 [sflag:s14], $0x2000  }
0xd6: {  	[sflag:s14] =	ssyncset.done @!p1 $0x0  }
0xd7: {  	s6 =	simm.s32 @!p1 $0xFC00;
	s13 =	simm.s32 @!p1 $0xF;
	[sflag:s14] =	ssyncadd.s32 @!p1 $0xFFFFE000  }
0xd8: {  	[hbm4b:s9+s11] =	stream.linear.scatter @!p1 [tilespmem:s6], [sflag:$0x12], $0x2000, $0x38;
	[tilespmem:$0x15C00] =	vst v63  }
0xd9: {  	_ =	swait.ge @!p1 [sflag:s13], $0x2000  }
0xda: {  	[sflag:s13] =	ssyncset.done @!p1 $0x0  }
0xdb: {  	s6 =	simm.s32 @!p1 $0x9C00;
	s9 =	simm.s32 @!p1 $0x9;
	[sflag:s13] =	ssyncadd.s32 @!p1 $0xFFFFE000  }
0xdc: {  	[tilespmem:s6], [sflag:$0x5] =	stream.indirect.gather @!p1 [hbm4b:s1+s16], $0x80, s5, s16, $0xb8;
	[tilespmem:$0x15C00] =	vst v63  }
0xdd: {  	s10 =	sadd.s32 $0xA00, s10;
	_ =	swait.ge @!p1 [sflag:s9], $0x2000  }
0xde: {  	p0 =	sne.s32 s10, $0x6400;
	[sflag:s9] =	ssyncset.done @!p1 $0x0  }
0xdf: {  	s5 =	simm.s32 @!p1 $0x11C00;
	s6 =	simm.s32 @!p1 $0x10;
	[sflag:s9] =	ssyncadd.s32 @!p1 $0xFFFFE000  }
0xe0: {  	[hbm4b:s20+s11] =	stream.linear.scatter @!p1 [tilespmem:s5], [sflag:$0x13], $0x2000, $0x38;
	[tilespmem:$0x15C00] =	vst v63  }
.Ltmp0:
0xe1: {  	_ =	swait.ge @!p1 [sflag:s6], $0x2000;
	(pc) =	sbr.rel @p0 .LBB2_2-.Ltmp0, $4  }
0xe2: {  	[sflag:s6] =	ssyncset.done @!p1 $0x0  }
0xe3: {  	[sflag:s6] =	ssyncadd.s32 @!p1 $0xFFFFE000  }
0xe4: {  	[tilespmem:s21], [sflag:$0x6] =	stream.indirect.gather @!p1 [hbm4b:s1+s16], $0x80, s18, s16, $0xb8;
	[tilespmem:$0x15C00] =	vst v63  }
0xe5: {  	s0 =	sadd.s32 $0x50000, s0;
	p1 =	seq.s32 s2, $0x0;
	_ =	swait.ge [sflag:s31], $0x2000  }
0xe6: {  	[sflag:s31] =	ssyncset.done $0x0  }
0xe7: {  	s5 =	simm.s32 @!p1 $0x11;
	[sflag:s31] =	ssyncadd.s32 $0xFFFFE000  }
0xe8: {  	[hbm4b:s3+s4] =	stream.linear.scatter [tilespmem:s26], [sflag:$0x14], $0x2000, $0x38;
	[tilespmem:$0x15C00] =	vst v63  }
0xe9: {  	_ =	swait.ge @!p1 [sflag:s5], $0x2000  }
0xea: {  	s17 =	sshra.s32 s2, $0x2;
	[sflag:s5] =	ssyncset.done @!p1 $0x0  }
0xeb: {  	s6 =	sadd.s32 $0x180, s17;
	[sflag:s5] =	ssyncadd.s32 @!p1 $0xFFFFE000  }
0xec: {  	[tilespmem:s22], [sflag:$0x7] =	stream.indirect.gather [hbm4b:s1+s12], $0x80, s6, s12, $0xb8;
	[tilespmem:$0x15C00] =	vst v63  }
0xed: {  	_ =	swait.ge [sflag:s23], $0x2000  }
0xee: {  	s18 =	rddreg [dreg:$0xa];
	[sflag:s23] =	ssyncset.done $0x0  }
0xef: {  	s6 =	simm.s32 @!p1 $0x12;
	[sflag:s23] =	ssyncadd.s32 $0xFFFFE000;
	s5 =	sadd.s32 s0, s18  }
0xf0: {  	[hbm4b:s5+s4] =	stream.linear.scatter [tilespmem:s19], [sflag:$0xB], $0x2000, $0x38;
	[tilespmem:$0x15C00] =	vst v63  }
0xf1: {  	_ =	swait.ge @!p1 [sflag:s6], $0x2000  }
0xf2: {  	[sflag:s6] =	ssyncset.done @!p1 $0x0  }
0xf3: {  	s21 =	sadd.s32 $0x1C0, s17;
	s20 =	rddreg [dreg:$0xb];
	[sflag:s6] =	ssyncadd.s32 @!p1 $0xFFFFE000  }
0xf4: {  	[tilespmem:s20], [sflag:$0x8] =	stream.indirect.gather [hbm4b:s1+s12], $0x80, s21, s12, $0xb8;
	[tilespmem:$0x15C00] =	vst v63  }
0xf5: {  	_ =	swait.ge [sflag:s24], $0x2000  }
0xf6: {  	s6 =	simm.s32 @!p1 $0x13;
	s9 =	rddreg [dreg:$0x9];
	[sflag:s24] =	ssyncset.done $0x0  }
0xf7: {  	[sflag:s24] =	ssyncadd.s32 $0xFFFFE000;
	s5 =	sadd.s32 s0, s9;
	s9 =	simm.s32 $0x3C00  }
0xf8: {  	[hbm4b:s5+s4] =	stream.linear.scatter [tilespmem:s9], [sflag:$0xC], $0x2000, $0x38;
	[tilespmem:$0x15C00] =	vst v63  }
0xf9: {  	_ =	swait.ge @!p1 [sflag:s6], $0x2000  }
0xfa: {  	[sflag:s6] =	ssyncset.done @!p1 $0x0  }
0xfb: {  	s11 =	sadd.s32 $0x200, s17;
	s10 =	rddreg [dreg:$0xc];
	[sflag:s6] =	ssyncadd.s32 @!p1 $0xFFFFE000  }
0xfc: {  	[tilespmem:s10], [sflag:$0x9] =	stream.indirect.gather [hbm4b:s1+s12], $0x80, s11, s12, $0xb8;
	[tilespmem:$0x15C00] =	vst v63  }
0xfd: {  	_ =	swait.ge [sflag:s25], $0x2000  }
0xfe: {  	s14 =	simm.s32 $0x5C00;
	s13 =	rddreg [dreg:$0x8];
	[sflag:s25] =	ssyncset.done $0x0  }
0xff: {  	s6 =	simm.s32 @!p1 $0x14;
	[sflag:s25] =	ssyncadd.s32 $0xFFFFE000;
	s5 =	sadd.s32 s0, s13  }
0x100: {  	[hbm4b:s5+s4] =	stream.linear.scatter [tilespmem:s14], [sflag:$0xD], $0x2000, $0x38;
	[tilespmem:$0x15C00] =	vst v63  }
0x101: {  	_ =	swait.ge @!p1 [sflag:s6], $0x2000  }
0x102: {  	[sflag:s6] =	ssyncset.done @!p1 $0x0  }
0x103: {  	s3 =	sadd.s32 $0x240, s17;
	[sflag:s6] =	ssyncadd.s32 @!p1 $0xFFFFE000  }
0x104: {  	[tilespmem:s26], [sflag:$0xA] =	stream.indirect.gather [hbm4b:s1+s12], $0x80, s3, s12, $0xb8;
	[tilespmem:$0x15C00] =	vst v63  }
0x105: {  	p0 =	seq.s32 s2, $0x5A00;
	_ =	swait.ge [sflag:s28], $0x2000  }
0x106: {  	s16 =	simm.s32 $0x7C00;
	s15 =	rddreg [dreg:$0x7];
	[sflag:s28] =	ssyncset.done $0x0  }
0x107: {  	s5 =	simm.s32 @!p0 $0xB;
	[sflag:s28] =	ssyncadd.s32 $0xFFFFE000;
	s3 =	sadd.s32 s0, s15  }
0x108: {  	[hbm4b:s3+s4] =	stream.linear.scatter [tilespmem:s16], [sflag:$0xE], $0x2000, $0x38;
	[tilespmem:$0x15C00] =	vst v63  }
0x109: {  	_ =	swait.ge @!p0 [sflag:s5], $0x2000  }
0x10a: {  	s2 =	sshra.s32 @!p0 s2, $0x2;
	s9 =	simm.s32 @!p0 $0x1C00;
	[sflag:s5] =	ssyncset.done @!p0 $0x0  }
0x10b: {  	s6 =	sadd.s32 @!p0 $0x280, s2;
	s3 =	simm.s32 @!p0 $0x40;
	[sflag:s5] =	ssyncadd.s32 @!p0 $0xFFFFE000  }
0x10c: {  	[tilespmem:s9], [sflag:$0x1] =	stream.indirect.gather @!p0 [hbm4b:s1+s3], $0x80, s6, s3, $0xb8;
	[tilespmem:$0x15C00] =	vst v63  }
0x10d: {  	_ =	swait.ge [sflag:s29], $0x2000  }
0x10e: {  	s18 =	simm.s32 $0x9C00;
	s17 =	rddreg [dreg:$0x6];
	[sflag:s29] =	ssyncset.done $0x0  }
0x10f: {  	s6 =	simm.s32 @p0 $0x6;
	[sflag:s29] =	ssyncadd.s32 $0xFFFFE000;
	s5 =	sadd.s32 s0, s17  }
0x110: {  	[hbm4b:s5+s4] =	stream.linear.scatter [tilespmem:s18], [sflag:$0xF], $0x2000, $0x38;
	[tilespmem:$0x15C00] =	vst v63  }
0x111: {  	_ =	swait.ge @p0 [sflag:s6], $0x2000  }
0x112: {  	s10 =	simm.s32 @p0 $0x0;
	s9 =	sadd.s32 @p0 s0, s7;
	[sflag:s6] =	ssyncset.done @p0 $0x0  }
0x113: {  	s5 =	simm.s32 @p0 $0xBC00;
	[sflag:s6] =	ssyncadd.s32 @p0 $0xFFFFE000;
	s6 =	simm.s32 @!p0 $0xC  }
0x114: {  	[hbm4b:s9+s10] =	stream.linear.scatter @p0 [tilespmem:s5], [sflag:$0x10], $0x2000, $0x38;
	[tilespmem:$0x15C00] =	vst v63  }
0x115: {  	_ =	swait.ge @!p0 [sflag:s6], $0x2000  }
0x116: {  	s5 =	sadd.s32 @!p0 $0x2C0, s2;
	[sflag:s6] =	ssyncset.done @!p0 $0x0  }
0x117: {  	s9 =	simm.s32 @!p0 $0x3C00;
	[sflag:s6] =	ssyncadd.s32 @!p0 $0xFFFFE000;
	s6 =	simm.s32 @!p0 $0x6  }
0x118: {  	[tilespmem:s9], [sflag:$0x2] =	stream.indirect.gather @!p0 [hbm4b:s1+s3], $0x80, s5, s3, $0xb8;
	[tilespmem:$0x15C00] =	vst v63  }
0x119: {  	_ =	swait.ge @!p0 [sflag:s6], $0x2000  }
0x11a: {  	s11 =	simm.s32 @!p0 $0x0;
	s5 =	simm.s32 @!p0 $0xBC00;
	[sflag:s6] =	ssyncset.done @!p0 $0x0  }
0x11b: {  	s9 =	sadd.s32 @!p0 s0, s7;
	[sflag:s6] =	ssyncadd.s32 @!p0 $0xFFFFE000;
	s6 =	simm.s32 @!p0 $0xD  }
0x11c: {  	[hbm4b:s9+s11] =	stream.linear.scatter @!p0 [tilespmem:s5], [sflag:$0x10], $0x2000, $0x38;
	[tilespmem:$0x15C00] =	vst v63  }
0x11d: {  	_ =	swait.ge @!p0 [sflag:s6], $0x2000  }
0x11e: {  	[sflag:s6] =	ssyncset.done @!p0 $0x0  }
0x11f: {  	s13 =	simm.s32 @!p0 $0x5C00;
	s9 =	sadd.s32 @!p0 $0x300, s2;
	[sflag:s6] =	ssyncadd.s32 @!p0 $0xFFFFE000  }
0x120: {  	[tilespmem:s13], [sflag:$0x3] =	stream.indirect.gather @!p0 [hbm4b:s1+s3], $0x80, s9, s3, $0xb8;
	[tilespmem:$0x15C00] =	vst v63  }
0x121: {  	_ =	swait.ge [sflag:s30], $0x2000  }
0x122: {  	s20 =	sadd.s32 s0, s8;
	[sflag:s30] =	ssyncset.done $0x0  }
0x123: {  	s21 =	sadd.s32 $0x30000, s20;
	s13 =	simm.s32 @p0 $0x8;
	[sflag:s30] =	ssyncadd.s32 $0xFFFFE000  }
0x124: {  	[hbm4b:s21+s4] =	stream.linear.scatter [tilespmem:s22], [sflag:$0x11], $0x2000, $0x38;
	[tilespmem:$0x15C00] =	vst v63  }
0x125: {  	_ =	swait.ge @p0 [sflag:s13], $0x2000  }
0x126: {  	[sflag:s13] =	ssyncset.done @p0 $0x0  }
0x127: {  	s9 =	rddreg [dreg:$0x5];
	[sflag:s13] =	ssyncadd.s32 @p0 $0xFFFFE000;
	s13 =	simm.s32 @p0 $0xFC00  }
0x128: {  	[hbm4b:s9+s10] =	stream.linear.scatter @p0 [tilespmem:s13], [sflag:$0x12], $0x2000, $0x38;
	[tilespmem:$0x15C00] =	vst v63  }
0x129: {  	s9 =	simm.s32 @p0 $0x9  }
0x12a: {  	_ =	swait.ge @p0 [sflag:s9], $0x2000  }
0x12b: {  	[sflag:s9] =	ssyncset.done @p0 $0x0  }
0x12c: {  	s13 =	rddreg [dreg:$0x4];
	[sflag:s9] =	ssyncadd.s32 @p0 $0xFFFFE000;
	s9 =	simm.s32 @p0 $0x11C00  }
0x12d: {  	[hbm4b:s13+s10] =	stream.linear.scatter @p0 [tilespmem:s9], [sflag:$0x13], $0x2000, $0x38;
	[tilespmem:$0x15C00] =	vst v63  }
0x12e: {  	s9 =	simm.s32 @!p0 $0xE  }
0x12f: {  	_ =	swait.ge @!p0 [sflag:s9], $0x2000  }
0x130: {  	[sflag:s9] =	ssyncset.done @!p0 $0x0  }
0x131: {  	s10 =	sadd.s32 @!p0 $0x340, s2;
	[sflag:s9] =	ssyncadd.s32 @!p0 $0xFFFFE000;
	s9 =	simm.s32 @!p0 $0x7C00  }
0x132: {  	[tilespmem:s9], [sflag:$0x4] =	stream.indirect.gather @!p0 [hbm4b:s1+s3], $0x80, s10, s3, $0xb8;
	[tilespmem:$0x15C00] =	vst v63  }
0x133: {  	s9 =	simm.s32 @!p0 $0x8  }
0x134: {  	_ =	swait.ge @!p0 [sflag:s9], $0x2000  }
0x135: {  	s0 =	sadd.s32 @!p0 s0, s8;
	[sflag:s9] =	ssyncset.done @!p0 $0x0  }
0x136: {  	s10 =	sadd.s32 @!p0 $0x30400, s0;
	[sflag:s9] =	ssyncadd.s32 @!p0 $0xFFFFE000;
	s9 =	simm.s32 @!p0 $0xFC00  }
0x137: {  	[hbm4b:s10+s11] =	stream.linear.scatter @!p0 [tilespmem:s9], [sflag:$0x12], $0x2000, $0x38;
	[tilespmem:$0x15C00] =	vst v63  }
0x138: {  	s9 =	simm.s32 @!p0 $0xF  }
0x139: {  	_ =	swait.ge @!p0 [sflag:s9], $0x2000  }
0x13a: {  	[sflag:s9] =	ssyncset.done @!p0 $0x0  }
0x13b: {  	s10 =	sadd.s32 @!p0 $0x380, s2;
	[sflag:s9] =	ssyncadd.s32 @!p0 $0xFFFFE000;
	s9 =	simm.s32 @!p0 $0x9C00  }
0x13c: {  	[tilespmem:s9], [sflag:$0x5] =	stream.indirect.gather @!p0 [hbm4b:s1+s3], $0x80, s10, s3, $0xb8;
	[tilespmem:$0x15C00] =	vst v63  }
0x13d: {  	s9 =	simm.s32 @!p0 $0x9  }
0x13e: {  	_ =	swait.ge @!p0 [sflag:s9], $0x2000  }
0x13f: {  	[sflag:s9] =	ssyncset.done @!p0 $0x0  }
0x140: {  	s0 =	sadd.s32 @!p0 $0x40000, s0;
	[sflag:s9] =	ssyncadd.s32 @!p0 $0xFFFFE000;
	s9 =	simm.s32 @!p0 $0x11C00  }
0x141: {  	[hbm4b:s0+s11] =	stream.linear.scatter @!p0 [tilespmem:s9], [sflag:$0x13], $0x2000, $0x38;
	[tilespmem:$0x15C00] =	vst v63  }
0x142: {  	s0 =	simm.s32 @!p0 $0x10  }
0x143: {  	_ =	swait.ge @!p0 [sflag:s0], $0x2000  }
0x144: {  	[sflag:s0] =	ssyncset.done @!p0 $0x0  }
0x145: {  	[sflag:s0] =	ssyncadd.s32 @!p0 $0xFFFFE000;
	s0 =	sadd.s32 @!p0 $0x3C0, s2  }
0x146: {  	[tilespmem:s5], [sflag:$0x6] =	stream.indirect.gather @!p0 [hbm4b:s1+s3], $0x80, s0, s3, $0xb8;
	[tilespmem:$0x15C00] =	vst v63  }
0x147: {  	_ =	swait.ge [sflag:s31], $0x2000  }
0x148: {  	[sflag:s31] =	ssyncset.done $0x0  }
0x149: {  	s6 =	simm.s32 $0xB;
	s5 =	sadd.s32 $0x40400, s20;
	[sflag:s31] =	ssyncadd.s32 $0xFFFFE000  }
0x14a: {  	[hbm4b:s5+s4] =	stream.linear.scatter [tilespmem:s26], [sflag:$0x14], $0x2000, $0x38;
	[tilespmem:$0x15C00] =	vst v63  }
0x14b: {  	_ =	swait.ge [sflag:s6], $0x2000  }
0x14c: {  	[sflag:s6] =	ssyncset.done $0x0  }
0x14d: {  	s9 =	simm.s32 $0xC;
	[sflag:s6] =	ssyncadd.s32 $0xFFFFE000  }
0x14e: {  	_ =	swait.ge [sflag:s9], $0x2000  }
0x14f: {  	[sflag:s9] =	ssyncset.done $0x0  }
0x150: {  	s10 =	simm.s32 $0xD;
	[sflag:s9] =	ssyncadd.s32 $0xFFFFE000  }
0x151: {  	_ =	swait.ge [sflag:s10], $0x2000  }
0x152: {  	[sflag:s10] =	ssyncset.done $0x0  }
0x153: {  	s11 =	simm.s32 $0xE;
	[sflag:s10] =	ssyncadd.s32 $0xFFFFE000  }
0x154: {  	_ =	swait.ge [sflag:s11], $0x2000  }
0x155: {  	[sflag:s11] =	ssyncset.done $0x0  }
0x156: {  	s13 =	simm.s32 $0xF;
	[sflag:s11] =	ssyncadd.s32 $0xFFFFE000  }
0x157: {  	_ =	swait.ge [sflag:s13], $0x2000  }
0x158: {  	[sflag:s13] =	ssyncset.done $0x0  }
0x159: {  	s14 =	simm.s32 $0x10;
	[sflag:s13] =	ssyncadd.s32 $0xFFFFE000  }
0x15a: {  	_ =	swait.ge [sflag:s14], $0x2000  }
0x15b: {  	[sflag:s14] =	ssyncset.done $0x0  }
0x15c: {  	s15 =	simm.s32 $0x11;
	[sflag:s14] =	ssyncadd.s32 $0xFFFFE000  }
0x15d: {  	_ =	swait.ge [sflag:s15], $0x2000  }
0x15e: {  	[sflag:s15] =	ssyncset.done $0x0  }
0x15f: {  	s16 =	simm.s32 $0x12;
	[sflag:s15] =	ssyncadd.s32 $0xFFFFE000  }
0x160: {  	_ =	swait.ge [sflag:s16], $0x2000  }
0x161: {  	[sflag:s16] =	ssyncset.done $0x0  }
0x162: {  	s17 =	simm.s32 $0x13;
	[sflag:s16] =	ssyncadd.s32 $0xFFFFE000  }
0x163: {  	_ =	swait.ge [sflag:s17], $0x2000  }
0x164: {  	[sflag:s17] =	ssyncset.done $0x0  }
0x165: {  	s18 =	simm.s32 $0x14;
	[sflag:s17] =	ssyncadd.s32 $0xFFFFE000  }
0x166: {  	_ =	swait.ge [sflag:s18], $0x2000  }
0x167: {  	s20 =	rddreg [dreg:$0xf]  }
0x168: {  	s21 =	rddreg [dreg:$0xe];
	s3 =	sadd.s32 $0x1, s20  }
0x169: {  	p0 =	sne.s32 s3, s21  }
.Ltmp1:
0x16a: {  	_ = 	snop;
	(pc) =	sbr.rel @p0 .LBB2_1-.Ltmp1, $3  }
0x16b: {  	_ =	sdelay $0x1  }
0x16c: {  	[sflag:s18] =	ssyncset.done $0x0  }
0x16d: {  	[sflag:s18] =	ssyncadd.s32 $0xFFFFE000  }
0x16e: {  	_ =	sfence.sel $0x180000  }
0x16f: {  	[bflag:$0x0] =	sbarrier.arrive $0xFFFF  }
0x170: {  	_ =	strace $0x90000047  }
0x171: {  	s0 =	stileid.u32;
	[bflag:$0x2] =	sbarrier.arrive $0xFFFF  }
0x172: {  	p0 =	sne.s32 s0, $0x0;
	s0 =	rddreg [dreg:$0x3]  }
0x173: {  	s0 =	sadd.s32 @!p0 $0x100000, s0  }
0x174: {  	[sflag:s0] =	ssyncadd.tile.s32 @!p0 $0x1;
	_ =	shalt  }
.Lfunc_end2:
_tile_overlayer_lowered:
.L_overlay_start_2:
0x175: {  	(tag) =	ssettag $0x2  }
0x176: {  	s0 =	rddreg [dreg:$0x0];
	s2 =	stileid.u32  }
0x177: {  	s1 =	rddreg [dreg:$0x1];
	p0 =	sne.s32 s2, $0x0  }
0x178: {  	s3 =	rddreg [dreg:$0x2];
	[bflag:$0x3] =	sbarrier.arrive $0xFFFF;
	s2 =	simm.s32 @!p0 $0x1C15  }
0x179: {  	[timem:s3], [sflag:s2] =	dma.local @!p0 [hbm:s0], s1  }
0x17a: {  	s0 =	simm.s32 @!p0 $0x15  }
0x17b: {  	_ =	swait.ge @!p0 [sflag:s0], s1  }
0x17c: {  	s1 =	ssub.s32 @!p0 $0x0, s1;
	[sflag:s0] =	ssyncset.done @!p0 $0x0  }
0x17d: {  	[sflag:s0] =	ssyncadd.s32 @!p0 s1  }
0x17e: {  	[bflag:$0x3] =	sbarrier.arrive $0xFFFF  }
0x17f: {  	_ =	shalt  }

</sc_bundles>
